<compile_context>
chip_gen: v7x
topology: tpu7x:2x2x1
jax: 0.10.2.dev20260603
libtpu: 0.0.44.dev20260713+nightly
codegen_flags: <defaults>
</compile_context>

<pallas_src>
import functools

import jax
import jax.numpy as jnp
from jax import lax
from jax.experimental import pallas as pl
from jax.experimental.pallas import tpu as pltpu
from jax.experimental.pallas import tpu_sc as plsc

N = 1000000
D = 32
NC = 2
NS = 16
NW = NC * NS
C = 80
KB = 4
S = C * KB
G = N // S
NBUF = 2


def _scatter_kernel(values_hbm, perm_hbm, out_hbm, idx_v, buf_a, buf_b,
                    sem_load, sem_scat):
    wid = lax.axis_index("s") * NC + lax.axis_index("c")
    nt = (G - 1 - wid) // NW + 1

    def start_loads(t, b):
        g = wid + t * NW
        pltpu.async_copy(values_hbm.at[pl.ds(g * S, S)], buf_a.at[b],
                         sem_load.at[b])
        for j in range(KB):
            pltpu.async_copy(perm_hbm.at[pl.ds(g * S + j * C, C)],
                             idx_v.at[b, j], sem_load.at[b])

    def wait_loads(t, b):
        g = wid + t * NW
        pltpu.make_async_copy(values_hbm.at[pl.ds(g * S, S)], buf_a.at[b],
                              sem_load.at[b]).wait()
        for j in range(KB):
            pltpu.make_async_copy(perm_hbm.at[pl.ds(g * S + j * C, C)],
                                  idx_v.at[b, j], sem_load.at[b]).wait()

    start_loads(0, 0)

    def body(t, carry):
        b = lax.rem(t, NBUF)
        nb = lax.rem(t + 1, NBUF)

        @pl.when(t + 1 < nt)
        def _():
            start_loads(t + 1, nb)

        wait_loads(t, b)

        def widen(i4, carry2):
            for u in range(4):
                i = i4 * 4 + u
                buf_b[i, pl.ds(0, 16)] = buf_a[b, i, pl.ds(0, 16)]
                buf_b[i, pl.ds(16, 16)] = buf_a[b, i, pl.ds(16, 16)]
            return carry2

        lax.fori_loop(0, S // 4, widen, 0)

        descs = [
            pltpu.async_copy(buf_b.at[pl.ds(j * C, C)],
                             out_hbm.at[idx_v.at[b, j]], sem_scat)
            for j in range(KB)
        ]
        for dsc in descs:
            dsc.wait()
        return carry

    lax.fori_loop(0, nt, body, 0)


@jax.jit
def _run(values, perm):
    mesh = plsc.VectorSubcoreMesh(core_axis_name="c", subcore_axis_name="s")
    f = functools.partial(
        pl.kernel,
        out_type=jax.ShapeDtypeStruct((N, 128), jnp.float32),
        mesh=mesh,
        scratch_types=[
            pltpu.VMEM((NBUF, KB, C), jnp.int32),
            pltpu.VMEM((NBUF, S, D), jnp.float32),
            pltpu.VMEM((S, 128), jnp.float32),
            pltpu.SemaphoreType.DMA((NBUF,)),
            pltpu.SemaphoreType.DMA,
        ],
    )(_scatter_kernel)
    return f(values, perm)[:, :D]


def kernel(values, unbucketize_permute, num_ids_each_rank_to_send,
           num_ids_each_rank_to_receive):
    return _run(values, unbucketize_permute)

# --- scband reference (transcript-rebuilt; emitter-appended) ---
"""Pipeline reference for scband-rw-tensor-pool-values-dist-21199958573819 (READ-ONLY COPY).

The authoritative reference and input builder live on the scoring server;
editing this copy changes nothing except your own understanding.
"""

import jax, jax.numpy as jnp
import numpy as np

N = 1000000
D = 32
WORLD = 8


def setup_inputs(seed: int = 0) -> dict:
    key = jax.random.key(seed)
    k1, k2 = jax.random.split(key)
    values = jax.random.normal(k1, (N, D), dtype=jnp.float32)
    # unbucketize_permute is a permutation of [0, N) produced by the bucketize step
    unbucketize_permute = jax.random.permutation(k2, N).astype(jnp.int32)
    # equal row-wise splits across WORLD ranks (sum == N)
    splits = jnp.full((WORLD,), N // WORLD, dtype=jnp.int32)
    return {
        "values": values,
        "unbucketize_permute": unbucketize_permute,
        "num_ids_each_rank_to_send": splits,
        "num_ids_each_rank_to_receive": splits,
    }


def reference(values, unbucketize_permute, num_ids_each_rank_to_send, num_ids_each_rank_to_receive):
    # is_update=True path: bucketize_permute = fbgemm.invert_permute(unbucketize_permute)
    n = values.shape[0]
    idx = jnp.arange(n, dtype=unbucketize_permute.dtype)
    bucketize_permute = jnp.zeros((n,), dtype=unbucketize_permute.dtype).at[unbucketize_permute].set(idx)
    # values = values[bucketize_permute]  (large-row gather)
    permuted = jnp.take(values, bucketize_permute, axis=0)
    # TensorValuesAllToAll(input_splits, output_splits): single-host simulation.
    # Each contiguous segment i (length num_ids_each_rank_to_send[i]) is sent to rank i
    # and received segments are concatenated in rank order. With all data resident on
    # one simulated host, the concatenation of the segments in rank order reproduces
    # the permuted buffer layout, so the exchange is an identity reshuffle here.
    out = permuted
    return out

if __name__ == "__main__":
    import jax
    _d = setup_inputs()
    print(jax.jit(kernel)(*tuple(_d.values())))

</pallas_src>

<mosaic_0001>
#map = affine_map<(d0, d1) -> (0, 0)>
#map1 = affine_map<(d0, d1) -> (0)>
module attributes {stable_mosaic.version = 14 : i64} {
  func.func @_scatter_kernel(%arg0: i32, %arg1: i32, %arg2: memref<1000000x32xf32, #tpu.memory_space<hbm>>, %arg3: memref<1000000xi32, #tpu.memory_space<hbm>>, %arg4: memref<1000000x128xf32, #tpu.memory_space<hbm>>, %arg5: memref<2x4x80xi32, #tpu.memory_space<vmem>>, %arg6: memref<2x320x32xf32, #tpu.memory_space<vmem>>, %arg7: memref<320x128xf32, #tpu.memory_space<vmem>>, %arg8: memref<2x!tpu.dma_semaphore, #tpu.memory_space<semaphore_mem>>, %arg9: memref<!tpu.dma_semaphore, #tpu.memory_space<semaphore_mem>>) attributes {dimension_semantics = [#tpu.dimension_semantics<core_parallel>, #tpu.dimension_semantics<subcore_parallel>], iteration_bounds = array<i64: 2, 16>, scalar_prefetch = 0 : i64, scratch_operands = 5 : i64, tpu.core_type = #tpu.core_type<sc_vector_subcore>, window_params = [{transform_indices = #map}, {transform_indices = #map1}, {transform_indices = #map}]} {
    %mul3A = arith.constant 2 : i32
    %mul3A_0 = arith.muli %arg1, %mul3A : i32
    %add3A = arith.addi %mul3A_0, %arg0 : i32
    %sub3A = arith.constant 3124 : i32
    %sub3A_1 = arith.subi %sub3A, %add3A : i32
    %jit3A = arith.constant 32 : i32
    %div3A = arith.divsi %sub3A_1, %jit3A : i32
    %sign3A = arith.constant 0 : i32
    %sign3A_2 = arith.cmpi sgt, %sub3A_1, %sign3A : i32
    %sign3A_3 = arith.extui %sign3A_2 : i1 to i32
    %sign3A_4 = arith.constant 0 : i32
    %sign3A_5 = arith.cmpi slt, %sub3A_1, %sign3A_4 : i32
    %sign3A_6 = arith.extui %sign3A_5 : i1 to i32
    %sign3A_7 = arith.subi %sign3A_3, %sign3A_6 : i32
    %sign3A_8 = arith.constant 0 : i32
    %sign3A_9 = arith.cmpi sgt, %jit3A, %sign3A_8 : i32
    %sign3A_10 = arith.extui %sign3A_9 : i1 to i32
    %sign3A_11 = arith.constant 0 : i32
    %sign3A_12 = arith.cmpi slt, %jit3A, %sign3A_11 : i32
    %sign3A_13 = arith.extui %sign3A_12 : i1 to i32
    %sign3A_14 = arith.subi %sign3A_10, %sign3A_13 : i32
    %ne3A = arith.cmpi ne, %sign3A_7, %sign3A_14 : i32
    %rem3A = arith.remsi %sub3A_1, %jit3A : i32
    %ne3A_15 = arith.constant 0 : i32
    %ne3A_16 = arith.cmpi ne, %rem3A, %ne3A_15 : i32
    %and3A = arith.andi %ne3A, %ne3A_16 : i1
    %sub3A_17 = arith.constant 1 : i32
    %sub3A_18 = arith.subi %div3A, %sub3A_17 : i32
    %select_n3A = arith.select %and3A, %sub3A_18, %div3A : i32
    %add3A_19 = arith.constant 1 : i32
    %add3A_20 = arith.addi %select_n3A, %add3A_19 : i32
    %add3A_21 = arith.constant 0 : i32
    %add3A_22 = arith.addi %add3A, %add3A_21 : i32
    %mul3A_23 = arith.constant 320 : i32
    %mul3A_24 = arith.muli %add3A_22, %mul3A_23 : i32
    %dma_start3A = arith.constant 0 : i32
    %dma_start3A_25 = arith.constant 0 : i32
    %dma_start3A_26 = arith.constant 0 : i32
    %dma_start3A_27 = arith.constant 0 : i32
    %dma_start3A_28 = tpu.memref_slice %arg6[%dma_start3A, %dma_start3A_26, %dma_start3A_27] : memref<2x320x32xf32, #tpu.memory_space<vmem>> -> memref<1x320x32xf32, #tpu.memory_space<vmem>>
    %dma_start3A_29 = tpu.memref_squeeze %dma_start3A_28 : memref<1x320x32xf32, #tpu.memory_space<vmem>> -> memref<320x32xf32, #tpu.memory_space<vmem>>
    %dma_start3A_30 = arith.constant 0 : i32
    %dma_start3A_31 = tpu.memref_slice %arg2[%mul3A_24, %dma_start3A_30] : memref<1000000x32xf32, #tpu.memory_space<hbm>> -> memref<320x32xf32, #tpu.memory_space<hbm>>
    %dma_start3A_32 = tpu.memref_slice %arg8[%dma_start3A_25] : memref<2x!tpu.dma_semaphore, #tpu.memory_space<semaphore_mem>> -> memref<1x!tpu.dma_semaphore, #tpu.memory_space<semaphore_mem>>
    %dma_start3A_33 = tpu.memref_squeeze %dma_start3A_32 : memref<1x!tpu.dma_semaphore, #tpu.memory_space<semaphore_mem>> -> memref<!tpu.dma_semaphore, #tpu.memory_space<semaphore_mem>>
    %dma_start3A_34 = arith.constant 0 : i32
    %dma_start3A_35 = arith.constant 0 : i32
    %dma_start3A_36 = tpu.memref_slice %arg6[%dma_start3A, %dma_start3A_34, %dma_start3A_35] : memref<2x320x32xf32, #tpu.memory_space<vmem>> -> memref<1x320x32xf32, #tpu.memory_space<vmem>>
    %dma_start3A_37 = tpu.memref_squeeze %dma_start3A_36 : memref<1x320x32xf32, #tpu.memory_space<vmem>> -> memref<320x32xf32, #tpu.memory_space<vmem>>
    %dma_start3A_38 = arith.constant 0 : i32
    %dma_start3A_39 = tpu.memref_slice %arg2[%mul3A_24, %dma_start3A_38] : memref<1000000x32xf32, #tpu.memory_space<hbm>> -> memref<320x32xf32, #tpu.memory_space<hbm>>
    tpu.enqueue_dma source(%dma_start3A_39 : memref<320x32xf32, #tpu.memory_space<hbm>>) target(%dma_start3A_37 : memref<320x32xf32, #tpu.memory_space<vmem>>) target_semaphore(%dma_start3A_33 : memref<!tpu.dma_semaphore, #tpu.memory_space<semaphore_mem>>)
    %mul3A_40 = arith.constant 320 : i32
    %mul3A_41 = arith.muli %add3A_22, %mul3A_40 : i32
    %add3A_42 = arith.constant 0 : i32
    %add3A_43 = arith.addi %mul3A_41, %add3A_42 : i32
    %dma_start3A_44 = arith.constant 0 : i32
    %dma_start3A_45 = arith.constant 0 : i32
    %dma_start3A_46 = arith.constant 0 : i32
    %dma_start3A_47 = arith.constant 0 : i32
    %dma_start3A_48 = tpu.memref_slice %arg5[%dma_start3A_44, %dma_start3A_45, %dma_start3A_47] : memref<2x4x80xi32, #tpu.memory_space<vmem>> -> memref<1x1x80xi32, #tpu.memory_space<vmem>>
    %dma_start3A_49 = tpu.memref_squeeze %dma_start3A_48 : memref<1x1x80xi32, #tpu.memory_space<vmem>> -> memref<80xi32, #tpu.memory_space<vmem>>
    %dma_start3A_50 = tpu.memref_slice %arg3[%add3A_43] : memref<1000000xi32, #tpu.memory_space<hbm>> -> memref<80xi32, #tpu.memory_space<hbm>>
    %dma_start3A_51 = tpu.memref_slice %arg8[%dma_start3A_46] : memref<2x!tpu.dma_semaphore, #tpu.memory_space<semaphore_mem>> -> memref<1x!tpu.dma_semaphore, #tpu.memory_space<semaphore_mem>>
    %dma_start3A_52 = tpu.memref_squeeze %dma_start3A_51 : memref<1x!tpu.dma_semaphore, #tpu.memory_space<semaphore_mem>> -> memref<!tpu.dma_semaphore, #tpu.memory_space<semaphore_mem>>
    %dma_start3A_53 = arith.constant 0 : i32
    %dma_start3A_54 = tpu.memref_slice %arg5[%dma_start3A_44, %dma_start3A_45, %dma_start3A_53] : memref<2x4x80xi32, #tpu.memory_space<vmem>> -> memref<1x1x80xi32, #tpu.memory_space<vmem>>
    %dma_start3A_55 = tpu.memref_squeeze %dma_start3A_54 : memref<1x1x80xi32, #tpu.memory_space<vmem>> -> memref<80xi32, #tpu.memory_space<vmem>>
    %dma_start3A_56 = tpu.memref_slice %arg3[%add3A_43] : memref<1000000xi32, #tpu.memory_space<hbm>> -> memref<80xi32, #tpu.memory_space<hbm>>
    tpu.enqueue_dma source(%dma_start3A_56 : memref<80xi32, #tpu.memory_space<hbm>>) target(%dma_start3A_55 : memref<80xi32, #tpu.memory_space<vmem>>) target_semaphore(%dma_start3A_52 : memref<!tpu.dma_semaphore, #tpu.memory_space<semaphore_mem>>)
    %mul3A_57 = arith.constant 320 : i32
    %mul3A_58 = arith.muli %add3A_22, %mul3A_57 : i32
    %add3A_59 = arith.constant 80 : i32
    %add3A_60 = arith.addi %mul3A_58, %add3A_59 : i32
    %dma_start3A_61 = arith.constant 0 : i32
    %dma_start3A_62 = arith.constant 1 : i32
    %dma_start3A_63 = arith.constant 0 : i32
    %dma_start3A_64 = arith.constant 0 : i32
    %dma_start3A_65 = tpu.memref_slice %arg5[%dma_start3A_61, %dma_start3A_62, %dma_start3A_64] : memref<2x4x80xi32, #tpu.memory_space<vmem>> -> memref<1x1x80xi32, #tpu.memory_space<vmem>>
    %dma_start3A_66 = tpu.memref_squeeze %dma_start3A_65 : memref<1x1x80xi32, #tpu.memory_space<vmem>> -> memref<80xi32, #tpu.memory_space<vmem>>
    %dma_start3A_67 = tpu.memref_slice %arg3[%add3A_60] : memref<1000000xi32, #tpu.memory_space<hbm>> -> memref<80xi32, #tpu.memory_space<hbm>>
    %dma_start3A_68 = tpu.memref_slice %arg8[%dma_start3A_63] : memref<2x!tpu.dma_semaphore, #tpu.memory_space<semaphore_mem>> -> memref<1x!tpu.dma_semaphore, #tpu.memory_space<semaphore_mem>>
    %dma_start3A_69 = tpu.memref_squeeze %dma_start3A_68 : memref<1x!tpu.dma_semaphore, #tpu.memory_space<semaphore_mem>> -> memref<!tpu.dma_semaphore, #tpu.memory_space<semaphore_mem>>
    %dma_start3A_70 = arith.constant 0 : i32
    %dma_start3A_71 = tpu.memref_slice %arg5[%dma_start3A_61, %dma_start3A_62, %dma_start3A_70] : memref<2x4x80xi32, #tpu.memory_space<vmem>> -> memref<1x1x80xi32, #tpu.memory_space<vmem>>
    %dma_start3A_72 = tpu.memref_squeeze %dma_start3A_71 : memref<1x1x80xi32, #tpu.memory_space<vmem>> -> memref<80xi32, #tpu.memory_space<vmem>>
    %dma_start3A_73 = tpu.memref_slice %arg3[%add3A_60] : memref<1000000xi32, #tpu.memory_space<hbm>> -> memref<80xi32, #tpu.memory_space<hbm>>
    tpu.enqueue_dma source(%dma_start3A_73 : memref<80xi32, #tpu.memory_space<hbm>>) target(%dma_start3A_72 : memref<80xi32, #tpu.memory_space<vmem>>) target_semaphore(%dma_start3A_69 : memref<!tpu.dma_semaphore, #tpu.memory_space<semaphore_mem>>)
    %mul3A_74 = arith.constant 320 : i32
    %mul3A_75 = arith.muli %add3A_22, %mul3A_74 : i32
    %add3A_76 = arith.constant 160 : i32
    %add3A_77 = arith.addi %mul3A_75, %add3A_76 : i32
    %dma_start3A_78 = arith.constant 0 : i32
    %dma_start3A_79 = arith.constant 2 : i32
    %dma_start3A_80 = arith.constant 0 : i32
    %dma_start3A_81 = arith.constant 0 : i32
    %dma_start3A_82 = tpu.memref_slice %arg5[%dma_start3A_78, %dma_start3A_79, %dma_start3A_81] : memref<2x4x80xi32, #tpu.memory_space<vmem>> -> memref<1x1x80xi32, #tpu.memory_space<vmem>>
    %dma_start3A_83 = tpu.memref_squeeze %dma_start3A_82 : memref<1x1x80xi32, #tpu.memory_space<vmem>> -> memref<80xi32, #tpu.memory_space<vmem>>
    %dma_start3A_84 = tpu.memref_slice %arg3[%add3A_77] : memref<1000000xi32, #tpu.memory_space<hbm>> -> memref<80xi32, #tpu.memory_space<hbm>>
    %dma_start3A_85 = tpu.memref_slice %arg8[%dma_start3A_80] : memref<2x!tpu.dma_semaphore, #tpu.memory_space<semaphore_mem>> -> memref<1x!tpu.dma_semaphore, #tpu.memory_space<semaphore_mem>>
    %dma_start3A_86 = tpu.memref_squeeze %dma_start3A_85 : memref<1x!tpu.dma_semaphore, #tpu.memory_space<semaphore_mem>> -> memref<!tpu.dma_semaphore, #tpu.memory_space<semaphore_mem>>
    %dma_start3A_87 = arith.constant 0 : i32
    %dma_start3A_88 = tpu.memref_slice %arg5[%dma_start3A_78, %dma_start3A_79, %dma_start3A_87] : memref<2x4x80xi32, #tpu.memory_space<vmem>> -> memref<1x1x80xi32, #tpu.memory_space<vmem>>
    %dma_start3A_89 = tpu.memref_squeeze %dma_start3A_88 : memref<1x1x80xi32, #tpu.memory_space<vmem>> -> memref<80xi32, #tpu.memory_space<vmem>>
    %dma_start3A_90 = tpu.memref_slice %arg3[%add3A_77] : memref<1000000xi32, #tpu.memory_space<hbm>> -> memref<80xi32, #tpu.memory_space<hbm>>
    tpu.enqueue_dma source(%dma_start3A_90 : memref<80xi32, #tpu.memory_space<hbm>>) target(%dma_start3A_89 : memref<80xi32, #tpu.memory_space<vmem>>) target_semaphore(%dma_start3A_86 : memref<!tpu.dma_semaphore, #tpu.memory_space<semaphore_mem>>)
    %mul3A_91 = arith.constant 320 : i32
    %mul3A_92 = arith.muli %add3A_22, %mul3A_91 : i32
    %add3A_93 = arith.constant 240 : i32
    %add3A_94 = arith.addi %mul3A_92, %add3A_93 : i32
    %dma_start3A_95 = arith.constant 0 : i32
    %dma_start3A_96 = arith.constant 3 : i32
    %dma_start3A_97 = arith.constant 0 : i32
    %dma_start3A_98 = arith.constant 0 : i32
    %dma_start3A_99 = tpu.memref_slice %arg5[%dma_start3A_95, %dma_start3A_96, %dma_start3A_98] : memref<2x4x80xi32, #tpu.memory_space<vmem>> -> memref<1x1x80xi32, #tpu.memory_space<vmem>>
    %dma_start3A_100 = tpu.memref_squeeze %dma_start3A_99 : memref<1x1x80xi32, #tpu.memory_space<vmem>> -> memref<80xi32, #tpu.memory_space<vmem>>
    %dma_start3A_101 = tpu.memref_slice %arg3[%add3A_94] : memref<1000000xi32, #tpu.memory_space<hbm>> -> memref<80xi32, #tpu.memory_space<hbm>>
    %dma_start3A_102 = tpu.memref_slice %arg8[%dma_start3A_97] : memref<2x!tpu.dma_semaphore, #tpu.memory_space<semaphore_mem>> -> memref<1x!tpu.dma_semaphore, #tpu.memory_space<semaphore_mem>>
    %dma_start3A_103 = tpu.memref_squeeze %dma_start3A_102 : memref<1x!tpu.dma_semaphore, #tpu.memory_space<semaphore_mem>> -> memref<!tpu.dma_semaphore, #tpu.memory_space<semaphore_mem>>
    %dma_start3A_104 = arith.constant 0 : i32
    %dma_start3A_105 = tpu.memref_slice %arg5[%dma_start3A_95, %dma_start3A_96, %dma_start3A_104] : memref<2x4x80xi32, #tpu.memory_space<vmem>> -> memref<1x1x80xi32, #tpu.memory_space<vmem>>
    %dma_start3A_106 = tpu.memref_squeeze %dma_start3A_105 : memref<1x1x80xi32, #tpu.memory_space<vmem>> -> memref<80xi32, #tpu.memory_space<vmem>>
    %dma_start3A_107 = tpu.memref_slice %arg3[%add3A_94] : memref<1000000xi32, #tpu.memory_space<hbm>> -> memref<80xi32, #tpu.memory_space<hbm>>
    tpu.enqueue_dma source(%dma_start3A_107 : memref<80xi32, #tpu.memory_space<hbm>>) target(%dma_start3A_106 : memref<80xi32, #tpu.memory_space<vmem>>) target_semaphore(%dma_start3A_103 : memref<!tpu.dma_semaphore, #tpu.memory_space<semaphore_mem>>)
    %while3A = arith.constant 0 : i32
    %while3A_108 = arith.constant 0 : i32
    %while3A_109 = arith.subi %add3A_20, %while3A_108 : i32
    %while3A_110 = arith.addi %while3A_108, %while3A_109 : i32
    %while3A_111 = arith.constant 1 : i32
    %while3A_112 = arith.divsi %while3A_109, %while3A_111 : i32
    %while3A_113 = arith.muli %while3A_112, %while3A_111 : i32
    %while3A_114 = arith.addi %while3A_108, %while3A_113 : i32
    %while3A_115 = arith.constant 1 : i32
    scf.for %while3A_117 = %while3A_108 to %while3A_114 step %while3A_115  : i32 {
      %rem3A_118 = arith.constant 2 : i32
      %rem3A_119 = arith.remsi %while3A_117, %rem3A_118 : i32
      %add3A_120 = arith.constant 1 : i32
      %add3A_121 = arith.addi %while3A_117, %add3A_120 : i32
      %rem3A_122 = arith.constant 2 : i32
      %rem3A_123 = arith.remsi %add3A_121, %rem3A_122 : i32
      %add3A_124 = arith.constant 1 : i32
      %add3A_125 = arith.addi %while3A_117, %add3A_124 : i32
      %lt3A = arith.cmpi slt, %add3A_125, %add3A_20 : i32
      %convert_element_type3A = arith.extui %lt3A : i1 to i32
      %cond3A = arith.constant 0 : i32
      %cond3A_126 = arith.cmpi ne, %convert_element_type3A, %cond3A : i32
      scf.if %cond3A_126 {
        %add3A_290 = arith.constant 1 : i32
        %add3A_291 = arith.addi %while3A_117, %add3A_290 : i32
        %mul3A_292 = arith.constant 32 : i32
        %mul3A_293 = arith.muli %add3A_291, %mul3A_292 : i32
        %add3A_294 = arith.addi %add3A, %mul3A_293 : i32
        %mul3A_295 = arith.constant 320 : i32
        %mul3A_296 = arith.muli %add3A_294, %mul3A_295 : i32
        %dma_start3A_297 = arith.constant 0 : i32
        %dma_start3A_298 = arith.constant 0 : i32
        %dma_start3A_299 = tpu.memref_slice %arg6[%rem3A_123, %dma_start3A_297, %dma_start3A_298] : memref<2x320x32xf32, #tpu.memory_space<vmem>> -> memref<1x320x32xf32, #tpu.memory_space<vmem>>
        %dma_start3A_300 = tpu.memref_squeeze %dma_start3A_299 : memref<1x320x32xf32, #tpu.memory_space<vmem>> -> memref<320x32xf32, #tpu.memory_space<vmem>>
        %dma_start3A_301 = arith.constant 0 : i32
        %dma_start3A_302 = tpu.memref_slice %arg2[%mul3A_296, %dma_start3A_301] : memref<1000000x32xf32, #tpu.memory_space<hbm>> -> memref<320x32xf32, #tpu.memory_space<hbm>>
        %dma_start3A_303 = tpu.memref_slice %arg8[%rem3A_123] : memref<2x!tpu.dma_semaphore, #tpu.memory_space<semaphore_mem>> -> memref<1x!tpu.dma_semaphore, #tpu.memory_space<semaphore_mem>>
        %dma_start3A_304 = tpu.memref_squeeze %dma_start3A_303 : memref<1x!tpu.dma_semaphore, #tpu.memory_space<semaphore_mem>> -> memref<!tpu.dma_semaphore, #tpu.memory_space<semaphore_mem>>
        %dma_start3A_305 = arith.constant 0 : i32
        %dma_start3A_306 = arith.constant 0 : i32
        %dma_start3A_307 = tpu.memref_slice %arg6[%rem3A_123, %dma_start3A_305, %dma_start3A_306] : memref<2x320x32xf32, #tpu.memory_space<vmem>> -> memref<1x320x32xf32, #tpu.memory_space<vmem>>
        %dma_start3A_308 = tpu.memref_squeeze %dma_start3A_307 : memref<1x320x32xf32, #tpu.memory_space<vmem>> -> memref<320x32xf32, #tpu.memory_space<vmem>>
        %dma_start3A_309 = arith.constant 0 : i32
        %dma_start3A_310 = tpu.memref_slice %arg2[%mul3A_296, %dma_start3A_309] : memref<1000000x32xf32, #tpu.memory_space<hbm>> -> memref<320x32xf32, #tpu.memory_space<hbm>>
        tpu.enqueue_dma source(%dma_start3A_310 : memref<320x32xf32, #tpu.memory_space<hbm>>) target(%dma_start3A_308 : memref<320x32xf32, #tpu.memory_space<vmem>>) target_semaphore(%dma_start3A_304 : memref<!tpu.dma_semaphore, #tpu.memory_space<semaphore_mem>>)
        %mul3A_311 = arith.constant 320 : i32
        %mul3A_312 = arith.muli %add3A_294, %mul3A_311 : i32
        %add3A_313 = arith.constant 0 : i32
        %add3A_314 = arith.addi %mul3A_312, %add3A_313 : i32
        %dma_start3A_315 = arith.constant 0 : i32
        %dma_start3A_316 = arith.constant 0 : i32
        %dma_start3A_317 = tpu.memref_slice %arg5[%rem3A_123, %dma_start3A_315, %dma_start3A_316] : memref<2x4x80xi32, #tpu.memory_space<vmem>> -> memref<1x1x80xi32, #tpu.memory_space<vmem>>
        %dma_start3A_318 = tpu.memref_squeeze %dma_start3A_317 : memref<1x1x80xi32, #tpu.memory_space<vmem>> -> memref<80xi32, #tpu.memory_space<vmem>>
        %dma_start3A_319 = tpu.memref_slice %arg3[%add3A_314] : memref<1000000xi32, #tpu.memory_space<hbm>> -> memref<80xi32, #tpu.memory_space<hbm>>
        %dma_start3A_320 = tpu.memref_slice %arg8[%rem3A_123] : memref<2x!tpu.dma_semaphore, #tpu.memory_space<semaphore_mem>> -> memref<1x!tpu.dma_semaphore, #tpu.memory_space<semaphore_mem>>
        %dma_start3A_321 = tpu.memref_squeeze %dma_start3A_320 : memref<1x!tpu.dma_semaphore, #tpu.memory_space<semaphore_mem>> -> memref<!tpu.dma_semaphore, #tpu.memory_space<semaphore_mem>>
        %dma_start3A_322 = arith.constant 0 : i32
        %dma_start3A_323 = tpu.memref_slice %arg5[%rem3A_123, %dma_start3A_315, %dma_start3A_322] : memref<2x4x80xi32, #tpu.memory_space<vmem>> -> memref<1x1x80xi32, #tpu.memory_space<vmem>>
        %dma_start3A_324 = tpu.memref_squeeze %dma_start3A_323 : memref<1x1x80xi32, #tpu.memory_space<vmem>> -> memref<80xi32, #tpu.memory_space<vmem>>
        %dma_start3A_325 = tpu.memref_slice %arg3[%add3A_314] : memref<1000000xi32, #tpu.memory_space<hbm>> -> memref<80xi32, #tpu.memory_space<hbm>>
        tpu.enqueue_dma source(%dma_start3A_325 : memref<80xi32, #tpu.memory_space<hbm>>) target(%dma_start3A_324 : memref<80xi32, #tpu.memory_space<vmem>>) target_semaphore(%dma_start3A_321 : memref<!tpu.dma_semaphore, #tpu.memory_space<semaphore_mem>>)
        %mul3A_326 = arith.constant 320 : i32
        %mul3A_327 = arith.muli %add3A_294, %mul3A_326 : i32
        %add3A_328 = arith.constant 80 : i32
        %add3A_329 = arith.addi %mul3A_327, %add3A_328 : i32
        %dma_start3A_330 = arith.constant 1 : i32
        %dma_start3A_331 = arith.constant 0 : i32
        %dma_start3A_332 = tpu.memref_slice %arg5[%rem3A_123, %dma_start3A_330, %dma_start3A_331] : memref<2x4x80xi32, #tpu.memory_space<vmem>> -> memref<1x1x80xi32, #tpu.memory_space<vmem>>
        %dma_start3A_333 = tpu.memref_squeeze %dma_start3A_332 : memref<1x1x80xi32, #tpu.memory_space<vmem>> -> memref<80xi32, #tpu.memory_space<vmem>>
        %dma_start3A_334 = tpu.memref_slice %arg3[%add3A_329] : memref<1000000xi32, #tpu.memory_space<hbm>> -> memref<80xi32, #tpu.memory_space<hbm>>
        %dma_start3A_335 = tpu.memref_slice %arg8[%rem3A_123] : memref<2x!tpu.dma_semaphore, #tpu.memory_space<semaphore_mem>> -> memref<1x!tpu.dma_semaphore, #tpu.memory_space<semaphore_mem>>
        %dma_start3A_336 = tpu.memref_squeeze %dma_start3A_335 : memref<1x!tpu.dma_semaphore, #tpu.memory_space<semaphore_mem>> -> memref<!tpu.dma_semaphore, #tpu.memory_space<semaphore_mem>>
        %dma_start3A_337 = arith.constant 0 : i32
        %dma_start3A_338 = tpu.memref_slice %arg5[%rem3A_123, %dma_start3A_330, %dma_start3A_337] : memref<2x4x80xi32, #tpu.memory_space<vmem>> -> memref<1x1x80xi32, #tpu.memory_space<vmem>>
        %dma_start3A_339 = tpu.memref_squeeze %dma_start3A_338 : memref<1x1x80xi32, #tpu.memory_space<vmem>> -> memref<80xi32, #tpu.memory_space<vmem>>
        %dma_start3A_340 = tpu.memref_slice %arg3[%add3A_329] : memref<1000000xi32, #tpu.memory_space<hbm>> -> memref<80xi32, #tpu.memory_space<hbm>>
        tpu.enqueue_dma source(%dma_start3A_340 : memref<80xi32, #tpu.memory_space<hbm>>) target(%dma_start3A_339 : memref<80xi32, #tpu.memory_space<vmem>>) target_semaphore(%dma_start3A_336 : memref<!tpu.dma_semaphore, #tpu.memory_space<semaphore_mem>>)
        %mul3A_341 = arith.constant 320 : i32
        %mul3A_342 = arith.muli %add3A_294, %mul3A_341 : i32
        %add3A_343 = arith.constant 160 : i32
        %add3A_344 = arith.addi %mul3A_342, %add3A_343 : i32
        %dma_start3A_345 = arith.constant 2 : i32
        %dma_start3A_346 = arith.constant 0 : i32
        %dma_start3A_347 = tpu.memref_slice %arg5[%rem3A_123, %dma_start3A_345, %dma_start3A_346] : memref<2x4x80xi32, #tpu.memory_space<vmem>> -> memref<1x1x80xi32, #tpu.memory_space<vmem>>
        %dma_start3A_348 = tpu.memref_squeeze %dma_start3A_347 : memref<1x1x80xi32, #tpu.memory_space<vmem>> -> memref<80xi32, #tpu.memory_space<vmem>>
        %dma_start3A_349 = tpu.memref_slice %arg3[%add3A_344] : memref<1000000xi32, #tpu.memory_space<hbm>> -> memref<80xi32, #tpu.memory_space<hbm>>
        %dma_start3A_350 = tpu.memref_slice %arg8[%rem3A_123] : memref<2x!tpu.dma_semaphore, #tpu.memory_space<semaphore_mem>> -> memref<1x!tpu.dma_semaphore, #tpu.memory_space<semaphore_mem>>
        %dma_start3A_351 = tpu.memref_squeeze %dma_start3A_350 : memref<1x!tpu.dma_semaphore, #tpu.memory_space<semaphore_mem>> -> memref<!tpu.dma_semaphore, #tpu.memory_space<semaphore_mem>>
        %dma_start3A_352 = arith.constant 0 : i32
        %dma_start3A_353 = tpu.memref_slice %arg5[%rem3A_123, %dma_start3A_345, %dma_start3A_352] : memref<2x4x80xi32, #tpu.memory_space<vmem>> -> memref<1x1x80xi32, #tpu.memory_space<vmem>>
        %dma_start3A_354 = tpu.memref_squeeze %dma_start3A_353 : memref<1x1x80xi32, #tpu.memory_space<vmem>> -> memref<80xi32, #tpu.memory_space<vmem>>
        %dma_start3A_355 = tpu.memref_slice %arg3[%add3A_344] : memref<1000000xi32, #tpu.memory_space<hbm>> -> memref<80xi32, #tpu.memory_space<hbm>>
        tpu.enqueue_dma source(%dma_start3A_355 : memref<80xi32, #tpu.memory_space<hbm>>) target(%dma_start3A_354 : memref<80xi32, #tpu.memory_space<vmem>>) target_semaphore(%dma_start3A_351 : memref<!tpu.dma_semaphore, #tpu.memory_space<semaphore_mem>>)
        %mul3A_356 = arith.constant 320 : i32
        %mul3A_357 = arith.muli %add3A_294, %mul3A_356 : i32
        %add3A_358 = arith.constant 240 : i32
        %add3A_359 = arith.addi %mul3A_357, %add3A_358 : i32
        %dma_start3A_360 = arith.constant 3 : i32
        %dma_start3A_361 = arith.constant 0 : i32
        %dma_start3A_362 = tpu.memref_slice %arg5[%rem3A_123, %dma_start3A_360, %dma_start3A_361] : memref<2x4x80xi32, #tpu.memory_space<vmem>> -> memref<1x1x80xi32, #tpu.memory_space<vmem>>
        %dma_start3A_363 = tpu.memref_squeeze %dma_start3A_362 : memref<1x1x80xi32, #tpu.memory_space<vmem>> -> memref<80xi32, #tpu.memory_space<vmem>>
        %dma_start3A_364 = tpu.memref_slice %arg3[%add3A_359] : memref<1000000xi32, #tpu.memory_space<hbm>> -> memref<80xi32, #tpu.memory_space<hbm>>
        %dma_start3A_365 = tpu.memref_slice %arg8[%rem3A_123] : memref<2x!tpu.dma_semaphore, #tpu.memory_space<semaphore_mem>> -> memref<1x!tpu.dma_semaphore, #tpu.memory_space<semaphore_mem>>
        %dma_start3A_366 = tpu.memref_squeeze %dma_start3A_365 : memref<1x!tpu.dma_semaphore, #tpu.memory_space<semaphore_mem>> -> memref<!tpu.dma_semaphore, #tpu.memory_space<semaphore_mem>>
        %dma_start3A_367 = arith.constant 0 : i32
        %dma_start3A_368 = tpu.memref_slice %arg5[%rem3A_123, %dma_start3A_360, %dma_start3A_367] : memref<2x4x80xi32, #tpu.memory_space<vmem>> -> memref<1x1x80xi32, #tpu.memory_space<vmem>>
        %dma_start3A_369 = tpu.memref_squeeze %dma_start3A_368 : memref<1x1x80xi32, #tpu.memory_space<vmem>> -> memref<80xi32, #tpu.memory_space<vmem>>
        %dma_start3A_370 = tpu.memref_slice %arg3[%add3A_359] : memref<1000000xi32, #tpu.memory_space<hbm>> -> memref<80xi32, #tpu.memory_space<hbm>>
        tpu.enqueue_dma source(%dma_start3A_370 : memref<80xi32, #tpu.memory_space<hbm>>) target(%dma_start3A_369 : memref<80xi32, #tpu.memory_space<vmem>>) target_semaphore(%dma_start3A_366 : memref<!tpu.dma_semaphore, #tpu.memory_space<semaphore_mem>>)
      } else {
      }
      %mul3A_127 = arith.constant 32 : i32
      %mul3A_128 = arith.muli %while3A_117, %mul3A_127 : i32
      %add3A_129 = arith.addi %add3A, %mul3A_128 : i32
      %mul3A_130 = arith.constant 320 : i32
      %mul3A_131 = arith.muli %add3A_129, %mul3A_130 : i32
      %dma_wait3A = arith.constant 0 : i32
      %dma_wait3A_132 = arith.constant 0 : i32
      %dma_wait3A_133 = tpu.memref_slice %arg6[%rem3A_119, %dma_wait3A, %dma_wait3A_132] : memref<2x320x32xf32, #tpu.memory_space<vmem>> -> memref<1x320x32xf32, #tpu.memory_space<vmem>>
      %dma_wait3A_134 = tpu.memref_squeeze %dma_wait3A_133 : memref<1x320x32xf32, #tpu.memory_space<vmem>> -> memref<320x32xf32, #tpu.memory_space<vmem>>
      %dma_wait3A_135 = arith.constant 0 : i32
      %dma_wait3A_136 = tpu.memref_slice %arg2[%mul3A_131, %dma_wait3A_135] : memref<1000000x32xf32, #tpu.memory_space<hbm>> -> memref<320x32xf32, #tpu.memory_space<hbm>>
      %dma_wait3A_137 = tpu.memref_slice %arg8[%rem3A_119] : memref<2x!tpu.dma_semaphore, #tpu.memory_space<semaphore_mem>> -> memref<1x!tpu.dma_semaphore, #tpu.memory_space<semaphore_mem>>
      %dma_wait3A_138 = tpu.memref_squeeze %dma_wait3A_137 : memref<1x!tpu.dma_semaphore, #tpu.memory_space<semaphore_mem>> -> memref<!tpu.dma_semaphore, #tpu.memory_space<semaphore_mem>>
      %dma_wait3A_139 = arith.constant 0 : i32
      %dma_wait3A_140 = arith.constant 0 : i32
      %dma_wait3A_141 = tpu.memref_slice %arg6[%rem3A_119, %dma_wait3A_139, %dma_wait3A_140] : memref<2x320x32xf32, #tpu.memory_space<vmem>> -> memref<1x320x32xf32, #tpu.memory_space<vmem>>
      %dma_wait3A_142 = tpu.memref_squeeze %dma_wait3A_141 : memref<1x320x32xf32, #tpu.memory_space<vmem>> -> memref<320x32xf32, #tpu.memory_space<vmem>>
      %dma_wait3A_143 = arith.constant 0 : i32
      %dma_wait3A_144 = tpu.memref_slice %arg2[%mul3A_131, %dma_wait3A_143] : memref<1000000x32xf32, #tpu.memory_space<hbm>> -> memref<320x32xf32, #tpu.memory_space<hbm>>
      tpu.wait_dma2 semaphore(%dma_wait3A_138 : memref<!tpu.dma_semaphore, #tpu.memory_space<semaphore_mem>>) src(%dma_wait3A_144 : memref<320x32xf32, #tpu.memory_space<hbm>>) dst(%dma_wait3A_142 : memref<320x32xf32, #tpu.memory_space<vmem>>)
      %mul3A_145 = arith.constant 320 : i32
      %mul3A_146 = arith.muli %add3A_129, %mul3A_145 : i32
      %add3A_147 = arith.constant 0 : i32
      %add3A_148 = arith.addi %mul3A_146, %add3A_147 : i32
      %dma_wait3A_149 = arith.constant 0 : i32
      %dma_wait3A_150 = arith.constant 0 : i32
      %dma_wait3A_151 = tpu.memref_slice %arg5[%rem3A_119, %dma_wait3A_149, %dma_wait3A_150] : memref<2x4x80xi32, #tpu.memory_space<vmem>> -> memref<1x1x80xi32, #tpu.memory_space<vmem>>
      %dma_wait3A_152 = tpu.memref_squeeze %dma_wait3A_151 : memref<1x1x80xi32, #tpu.memory_space<vmem>> -> memref<80xi32, #tpu.memory_space<vmem>>
      %dma_wait3A_153 = tpu.memref_slice %arg3[%add3A_148] : memref<1000000xi32, #tpu.memory_space<hbm>> -> memref<80xi32, #tpu.memory_space<hbm>>
      %dma_wait3A_154 = tpu.memref_slice %arg8[%rem3A_119] : memref<2x!tpu.dma_semaphore, #tpu.memory_space<semaphore_mem>> -> memref<1x!tpu.dma_semaphore, #tpu.memory_space<semaphore_mem>>
      %dma_wait3A_155 = tpu.memref_squeeze %dma_wait3A_154 : memref<1x!tpu.dma_semaphore, #tpu.memory_space<semaphore_mem>> -> memref<!tpu.dma_semaphore, #tpu.memory_space<semaphore_mem>>
      %dma_wait3A_156 = arith.constant 0 : i32
      %dma_wait3A_157 = tpu.memref_slice %arg5[%rem3A_119, %dma_wait3A_149, %dma_wait3A_156] : memref<2x4x80xi32, #tpu.memory_space<vmem>> -> memref<1x1x80xi32, #tpu.memory_space<vmem>>
      %dma_wait3A_158 = tpu.memref_squeeze %dma_wait3A_157 : memref<1x1x80xi32, #tpu.memory_space<vmem>> -> memref<80xi32, #tpu.memory_space<vmem>>
      %dma_wait3A_159 = tpu.memref_slice %arg3[%add3A_148] : memref<1000000xi32, #tpu.memory_space<hbm>> -> memref<80xi32, #tpu.memory_space<hbm>>
      tpu.wait_dma2 semaphore(%dma_wait3A_155 : memref<!tpu.dma_semaphore, #tpu.memory_space<semaphore_mem>>) src(%dma_wait3A_159 : memref<80xi32, #tpu.memory_space<hbm>>) dst(%dma_wait3A_158 : memref<80xi32, #tpu.memory_space<vmem>>)
      %mul3A_160 = arith.constant 320 : i32
      %mul3A_161 = arith.muli %add3A_129, %mul3A_160 : i32
      %add3A_162 = arith.constant 80 : i32
      %add3A_163 = arith.addi %mul3A_161, %add3A_162 : i32
      %dma_wait3A_164 = arith.constant 1 : i32
      %dma_wait3A_165 = arith.constant 0 : i32
      %dma_wait3A_166 = tpu.memref_slice %arg5[%rem3A_119, %dma_wait3A_164, %dma_wait3A_165] : memref<2x4x80xi32, #tpu.memory_space<vmem>> -> memref<1x1x80xi32, #tpu.memory_space<vmem>>
      %dma_wait3A_167 = tpu.memref_squeeze %dma_wait3A_166 : memref<1x1x80xi32, #tpu.memory_space<vmem>> -> memref<80xi32, #tpu.memory_space<vmem>>
      %dma_wait3A_168 = tpu.memref_slice %arg3[%add3A_163] : memref<1000000xi32, #tpu.memory_space<hbm>> -> memref<80xi32, #tpu.memory_space<hbm>>
      %dma_wait3A_169 = tpu.memref_slice %arg8[%rem3A_119] : memref<2x!tpu.dma_semaphore, #tpu.memory_space<semaphore_mem>> -> memref<1x!tpu.dma_semaphore, #tpu.memory_space<semaphore_mem>>
      %dma_wait3A_170 = tpu.memref_squeeze %dma_wait3A_169 : memref<1x!tpu.dma_semaphore, #tpu.memory_space<semaphore_mem>> -> memref<!tpu.dma_semaphore, #tpu.memory_space<semaphore_mem>>
      %dma_wait3A_171 = arith.constant 0 : i32
      %dma_wait3A_172 = tpu.memref_slice %arg5[%rem3A_119, %dma_wait3A_164, %dma_wait3A_171] : memref<2x4x80xi32, #tpu.memory_space<vmem>> -> memref<1x1x80xi32, #tpu.memory_space<vmem>>
      %dma_wait3A_173 = tpu.memref_squeeze %dma_wait3A_172 : memref<1x1x80xi32, #tpu.memory_space<vmem>> -> memref<80xi32, #tpu.memory_space<vmem>>
      %dma_wait3A_174 = tpu.memref_slice %arg3[%add3A_163] : memref<1000000xi32, #tpu.memory_space<hbm>> -> memref<80xi32, #tpu.memory_space<hbm>>
      tpu.wait_dma2 semaphore(%dma_wait3A_170 : memref<!tpu.dma_semaphore, #tpu.memory_space<semaphore_mem>>) src(%dma_wait3A_174 : memref<80xi32, #tpu.memory_space<hbm>>) dst(%dma_wait3A_173 : memref<80xi32, #tpu.memory_space<vmem>>)
      %mul3A_175 = arith.constant 320 : i32
      %mul3A_176 = arith.muli %add3A_129, %mul3A_175 : i32
      %add3A_177 = arith.constant 160 : i32
      %add3A_178 = arith.addi %mul3A_176, %add3A_177 : i32
      %dma_wait3A_179 = arith.constant 2 : i32
      %dma_wait3A_180 = arith.constant 0 : i32
      %dma_wait3A_181 = tpu.memref_slice %arg5[%rem3A_119, %dma_wait3A_179, %dma_wait3A_180] : memref<2x4x80xi32, #tpu.memory_space<vmem>> -> memref<1x1x80xi32, #tpu.memory_space<vmem>>
      %dma_wait3A_182 = tpu.memref_squeeze %dma_wait3A_181 : memref<1x1x80xi32, #tpu.memory_space<vmem>> -> memref<80xi32, #tpu.memory_space<vmem>>
      %dma_wait3A_183 = tpu.memref_slice %arg3[%add3A_178] : memref<1000000xi32, #tpu.memory_space<hbm>> -> memref<80xi32, #tpu.memory_space<hbm>>
      %dma_wait3A_184 = tpu.memref_slice %arg8[%rem3A_119] : memref<2x!tpu.dma_semaphore, #tpu.memory_space<semaphore_mem>> -> memref<1x!tpu.dma_semaphore, #tpu.memory_space<semaphore_mem>>
      %dma_wait3A_185 = tpu.memref_squeeze %dma_wait3A_184 : memref<1x!tpu.dma_semaphore, #tpu.memory_space<semaphore_mem>> -> memref<!tpu.dma_semaphore, #tpu.memory_space<semaphore_mem>>
      %dma_wait3A_186 = arith.constant 0 : i32
      %dma_wait3A_187 = tpu.memref_slice %arg5[%rem3A_119, %dma_wait3A_179, %dma_wait3A_186] : memref<2x4x80xi32, #tpu.memory_space<vmem>> -> memref<1x1x80xi32, #tpu.memory_space<vmem>>
      %dma_wait3A_188 = tpu.memref_squeeze %dma_wait3A_187 : memref<1x1x80xi32, #tpu.memory_space<vmem>> -> memref<80xi32, #tpu.memory_space<vmem>>
      %dma_wait3A_189 = tpu.memref_slice %arg3[%add3A_178] : memref<1000000xi32, #tpu.memory_space<hbm>> -> memref<80xi32, #tpu.memory_space<hbm>>
      tpu.wait_dma2 semaphore(%dma_wait3A_185 : memref<!tpu.dma_semaphore, #tpu.memory_space<semaphore_mem>>) src(%dma_wait3A_189 : memref<80xi32, #tpu.memory_space<hbm>>) dst(%dma_wait3A_188 : memref<80xi32, #tpu.memory_space<vmem>>)
      %mul3A_190 = arith.constant 320 : i32
      %mul3A_191 = arith.muli %add3A_129, %mul3A_190 : i32
      %add3A_192 = arith.constant 240 : i32
      %add3A_193 = arith.addi %mul3A_191, %add3A_192 : i32
      %dma_wait3A_194 = arith.constant 3 : i32
      %dma_wait3A_195 = arith.constant 0 : i32
      %dma_wait3A_196 = tpu.memref_slice %arg5[%rem3A_119, %dma_wait3A_194, %dma_wait3A_195] : memref<2x4x80xi32, #tpu.memory_space<vmem>> -> memref<1x1x80xi32, #tpu.memory_space<vmem>>
      %dma_wait3A_197 = tpu.memref_squeeze %dma_wait3A_196 : memref<1x1x80xi32, #tpu.memory_space<vmem>> -> memref<80xi32, #tpu.memory_space<vmem>>
      %dma_wait3A_198 = tpu.memref_slice %arg3[%add3A_193] : memref<1000000xi32, #tpu.memory_space<hbm>> -> memref<80xi32, #tpu.memory_space<hbm>>
      %dma_wait3A_199 = tpu.memref_slice %arg8[%rem3A_119] : memref<2x!tpu.dma_semaphore, #tpu.memory_space<semaphore_mem>> -> memref<1x!tpu.dma_semaphore, #tpu.memory_space<semaphore_mem>>
      %dma_wait3A_200 = tpu.memref_squeeze %dma_wait3A_199 : memref<1x!tpu.dma_semaphore, #tpu.memory_space<semaphore_mem>> -> memref<!tpu.dma_semaphore, #tpu.memory_space<semaphore_mem>>
      %dma_wait3A_201 = arith.constant 0 : i32
      %dma_wait3A_202 = tpu.memref_slice %arg5[%rem3A_119, %dma_wait3A_194, %dma_wait3A_201] : memref<2x4x80xi32, #tpu.memory_space<vmem>> -> memref<1x1x80xi32, #tpu.memory_space<vmem>>
      %dma_wait3A_203 = tpu.memref_squeeze %dma_wait3A_202 : memref<1x1x80xi32, #tpu.memory_space<vmem>> -> memref<80xi32, #tpu.memory_space<vmem>>
      %dma_wait3A_204 = tpu.memref_slice %arg3[%add3A_193] : memref<1000000xi32, #tpu.memory_space<hbm>> -> memref<80xi32, #tpu.memory_space<hbm>>
      tpu.wait_dma2 semaphore(%dma_wait3A_200 : memref<!tpu.dma_semaphore, #tpu.memory_space<semaphore_mem>>) src(%dma_wait3A_204 : memref<80xi32, #tpu.memory_space<hbm>>) dst(%dma_wait3A_203 : memref<80xi32, #tpu.memory_space<vmem>>)
      %scan3A = arith.constant 0 : i32
      %scan3A_205 = arith.constant 0 : i32
      %scan3A_206 = arith.constant 80 : i32
      %scan3A_207 = arith.addi %scan3A_205, %scan3A_206 : i32
      %scan3A_208 = arith.constant 1 : i32
      scf.for %scan3A_290 = %scan3A_205 to %scan3A_207 step %scan3A_208  : i32 {
        %mul3A_291 = arith.constant 4 : i32
        %mul3A_292 = arith.muli %scan3A_290, %mul3A_291 : i32
        %add3A_293 = arith.constant 0 : i32
        %add3A_294 = arith.addi %mul3A_292, %add3A_293 : i32
        %get3A = arith.index_cast %rem3A_119 : i32 to index
        %get3A_295 = arith.index_cast %add3A_294 : i32 to index
        %get3A_296 = arith.constant 0 : index
        %get3A_297 = tpu.vector_load %arg6[%get3A, %get3A_295, %get3A_296] {strides = array<i32>} : memref<2x320x32xf32, #tpu.memory_space<vmem>>, vector<1x1x16xf32>,
        %get3A_298 = vector.shape_cast %get3A_297 : vector<1x1x16xf32> to vector<16xf32>
        %swap3A = arith.index_cast %add3A_294 : i32 to index
        %swap3A_299 = arith.constant 0 : index
        %swap3A_300 = tpu.vector_load %arg7[%swap3A, %swap3A_299] {strides = array<i32>} : memref<320x128xf32, #tpu.memory_space<vmem>>, vector<1x16xf32>,
        %swap3A_301 = vector.shape_cast %swap3A_300 : vector<1x16xf32> to vector<16xf32>
        %swap3A_302 = vector.shape_cast %get3A_298 : vector<16xf32> to vector<1x16xf32>
        tpu.vector_store %arg7[%swap3A, %swap3A_299], %swap3A_302 {strides = array<i32>} : memref<320x128xf32, #tpu.memory_space<vmem>>, vector<1x16xf32>,
        %get3A_303 = arith.index_cast %rem3A_119 : i32 to index
        %get3A_304 = arith.index_cast %add3A_294 : i32 to index
        %get3A_305 = arith.constant 16 : index
        %get3A_306 = tpu.vector_load %arg6[%get3A_303, %get3A_304, %get3A_305] {strides = array<i32>} : memref<2x320x32xf32, #tpu.memory_space<vmem>>, vector<1x1x16xf32>,
        %get3A_307 = vector.shape_cast %get3A_306 : vector<1x1x16xf32> to vector<16xf32>
        %swap3A_308 = arith.index_cast %add3A_294 : i32 to index
        %swap3A_309 = arith.constant 16 : index
        %swap3A_310 = tpu.vector_load %arg7[%swap3A_308, %swap3A_309] {strides = array<i32>} : memref<320x128xf32, #tpu.memory_space<vmem>>, vector<1x16xf32>,
        %swap3A_311 = vector.shape_cast %swap3A_310 : vector<1x16xf32> to vector<16xf32>
        %swap3A_312 = vector.shape_cast %get3A_307 : vector<16xf32> to vector<1x16xf32>
        tpu.vector_store %arg7[%swap3A_308, %swap3A_309], %swap3A_312 {strides = array<i32>} : memref<320x128xf32, #tpu.memory_space<vmem>>, vector<1x16xf32>,
        %mul3A_313 = arith.constant 4 : i32
        %mul3A_314 = arith.muli %scan3A_290, %mul3A_313 : i32
        %add3A_315 = arith.constant 1 : i32
        %add3A_316 = arith.addi %mul3A_314, %add3A_315 : i32
        %get3A_317 = arith.index_cast %rem3A_119 : i32 to index
        %get3A_318 = arith.index_cast %add3A_316 : i32 to index
        %get3A_319 = arith.constant 0 : index
        %get3A_320 = tpu.vector_load %arg6[%get3A_317, %get3A_318, %get3A_319] {strides = array<i32>} : memref<2x320x32xf32, #tpu.memory_space<vmem>>, vector<1x1x16xf32>,
        %get3A_321 = vector.shape_cast %get3A_320 : vector<1x1x16xf32> to vector<16xf32>
        %swap3A_322 = arith.index_cast %add3A_316 : i32 to index
        %swap3A_323 = arith.constant 0 : index
        %swap3A_324 = tpu.vector_load %arg7[%swap3A_322, %swap3A_323] {strides = array<i32>} : memref<320x128xf32, #tpu.memory_space<vmem>>, vector<1x16xf32>,
        %swap3A_325 = vector.shape_cast %swap3A_324 : vector<1x16xf32> to vector<16xf32>
        %swap3A_326 = vector.shape_cast %get3A_321 : vector<16xf32> to vector<1x16xf32>
        tpu.vector_store %arg7[%swap3A_322, %swap3A_323], %swap3A_326 {strides = array<i32>} : memref<320x128xf32, #tpu.memory_space<vmem>>, vector<1x16xf32>,
        %get3A_327 = arith.index_cast %rem3A_119 : i32 to index
        %get3A_328 = arith.index_cast %add3A_316 : i32 to index
        %get3A_329 = arith.constant 16 : index
        %get3A_330 = tpu.vector_load %arg6[%get3A_327, %get3A_328, %get3A_329] {strides = array<i32>} : memref<2x320x32xf32, #tpu.memory_space<vmem>>, vector<1x1x16xf32>,
        %get3A_331 = vector.shape_cast %get3A_330 : vector<1x1x16xf32> to vector<16xf32>
        %swap3A_332 = arith.index_cast %add3A_316 : i32 to index
        %swap3A_333 = arith.constant 16 : index
        %swap3A_334 = tpu.vector_load %arg7[%swap3A_332, %swap3A_333] {strides = array<i32>} : memref<320x128xf32, #tpu.memory_space<vmem>>, vector<1x16xf32>,
        %swap3A_335 = vector.shape_cast %swap3A_334 : vector<1x16xf32> to vector<16xf32>
        %swap3A_336 = vector.shape_cast %get3A_331 : vector<16xf32> to vector<1x16xf32>
        tpu.vector_store %arg7[%swap3A_332, %swap3A_333], %swap3A_336 {strides = array<i32>} : memref<320x128xf32, #tpu.memory_space<vmem>>, vector<1x16xf32>,
        %mul3A_337 = arith.constant 4 : i32
        %mul3A_338 = arith.muli %scan3A_290, %mul3A_337 : i32
        %add3A_339 = arith.constant 2 : i32
        %add3A_340 = arith.addi %mul3A_338, %add3A_339 : i32
        %get3A_341 = arith.index_cast %rem3A_119 : i32 to index
        %get3A_342 = arith.index_cast %add3A_340 : i32 to index
        %get3A_343 = arith.constant 0 : index
        %get3A_344 = tpu.vector_load %arg6[%get3A_341, %get3A_342, %get3A_343] {strides = array<i32>} : memref<2x320x32xf32, #tpu.memory_space<vmem>>, vector<1x1x16xf32>,
        %get3A_345 = vector.shape_cast %get3A_344 : vector<1x1x16xf32> to vector<16xf32>
        %swap3A_346 = arith.index_cast %add3A_340 : i32 to index
        %swap3A_347 = arith.constant 0 : index
        %swap3A_348 = tpu.vector_load %arg7[%swap3A_346, %swap3A_347] {strides = array<i32>} : memref<320x128xf32, #tpu.memory_space<vmem>>, vector<1x16xf32>,
        %swap3A_349 = vector.shape_cast %swap3A_348 : vector<1x16xf32> to vector<16xf32>
        %swap3A_350 = vector.shape_cast %get3A_345 : vector<16xf32> to vector<1x16xf32>
        tpu.vector_store %arg7[%swap3A_346, %swap3A_347], %swap3A_350 {strides = array<i32>} : memref<320x128xf32, #tpu.memory_space<vmem>>, vector<1x16xf32>,
        %get3A_351 = arith.index_cast %rem3A_119 : i32 to index
        %get3A_352 = arith.index_cast %add3A_340 : i32 to index
        %get3A_353 = arith.constant 16 : index
        %get3A_354 = tpu.vector_load %arg6[%get3A_351, %get3A_352, %get3A_353] {strides = array<i32>} : memref<2x320x32xf32, #tpu.memory_space<vmem>>, vector<1x1x16xf32>,
        %get3A_355 = vector.shape_cast %get3A_354 : vector<1x1x16xf32> to vector<16xf32>
        %swap3A_356 = arith.index_cast %add3A_340 : i32 to index
        %swap3A_357 = arith.constant 16 : index
        %swap3A_358 = tpu.vector_load %arg7[%swap3A_356, %swap3A_357] {strides = array<i32>} : memref<320x128xf32, #tpu.memory_space<vmem>>, vector<1x16xf32>,
        %swap3A_359 = vector.shape_cast %swap3A_358 : vector<1x16xf32> to vector<16xf32>
        %swap3A_360 = vector.shape_cast %get3A_355 : vector<16xf32> to vector<1x16xf32>
        tpu.vector_store %arg7[%swap3A_356, %swap3A_357], %swap3A_360 {strides = array<i32>} : memref<320x128xf32, #tpu.memory_space<vmem>>, vector<1x16xf32>,
        %mul3A_361 = arith.constant 4 : i32
        %mul3A_362 = arith.muli %scan3A_290, %mul3A_361 : i32
        %add3A_363 = arith.constant 3 : i32
        %add3A_364 = arith.addi %mul3A_362, %add3A_363 : i32
        %get3A_365 = arith.index_cast %rem3A_119 : i32 to index
        %get3A_366 = arith.index_cast %add3A_364 : i32 to index
        %get3A_367 = arith.constant 0 : index
        %get3A_368 = tpu.vector_load %arg6[%get3A_365, %get3A_366, %get3A_367] {strides = array<i32>} : memref<2x320x32xf32, #tpu.memory_space<vmem>>, vector<1x1x16xf32>,
        %get3A_369 = vector.shape_cast %get3A_368 : vector<1x1x16xf32> to vector<16xf32>
        %swap3A_370 = arith.index_cast %add3A_364 : i32 to index
        %swap3A_371 = arith.constant 0 : index
        %swap3A_372 = tpu.vector_load %arg7[%swap3A_370, %swap3A_371] {strides = array<i32>} : memref<320x128xf32, #tpu.memory_space<vmem>>, vector<1x16xf32>,
        %swap3A_373 = vector.shape_cast %swap3A_372 : vector<1x16xf32> to vector<16xf32>
        %swap3A_374 = vector.shape_cast %get3A_369 : vector<16xf32> to vector<1x16xf32>
        tpu.vector_store %arg7[%swap3A_370, %swap3A_371], %swap3A_374 {strides = array<i32>} : memref<320x128xf32, #tpu.memory_space<vmem>>, vector<1x16xf32>,
        %get3A_375 = arith.index_cast %rem3A_119 : i32 to index
        %get3A_376 = arith.index_cast %add3A_364 : i32 to index
        %get3A_377 = arith.constant 16 : index
        %get3A_378 = tpu.vector_load %arg6[%get3A_375, %get3A_376, %get3A_377] {strides = array<i32>} : memref<2x320x32xf32, #tpu.memory_space<vmem>>, vector<1x1x16xf32>,
        %get3A_379 = vector.shape_cast %get3A_378 : vector<1x1x16xf32> to vector<16xf32>
        %swap3A_380 = arith.index_cast %add3A_364 : i32 to index
        %swap3A_381 = arith.constant 16 : index
        %swap3A_382 = tpu.vector_load %arg7[%swap3A_380, %swap3A_381] {strides = array<i32>} : memref<320x128xf32, #tpu.memory_space<vmem>>, vector<1x16xf32>,
        %swap3A_383 = vector.shape_cast %swap3A_382 : vector<1x16xf32> to vector<16xf32>
        %swap3A_384 = vector.shape_cast %get3A_379 : vector<16xf32> to vector<1x16xf32>
        tpu.vector_store %arg7[%swap3A_380, %swap3A_381], %swap3A_384 {strides = array<i32>} : memref<320x128xf32, #tpu.memory_space<vmem>>, vector<1x16xf32>,
      }
      %scan3A_209 = arith.constant 80 : i32
      %dma_start3A_210 = arith.constant 0 : i32
      %dma_start3A_211 = arith.constant 0 : i32
      %dma_start3A_212 = arith.constant 0 : i32
      %dma_start3A_213 = tpu.memref_slice %arg7[%dma_start3A_211, %dma_start3A_212] : memref<320x128xf32, #tpu.memory_space<vmem>> -> memref<80x128xf32, #tpu.memory_space<vmem>>
      %dma_start3A_214 = arith.constant 0 : i32
      %dma_start3A_215 = tpu.memref_slice %arg5[%rem3A_119, %dma_start3A_210, %dma_start3A_214] : memref<2x4x80xi32, #tpu.memory_space<vmem>> -> memref<1x1x80xi32, #tpu.memory_space<vmem>>
      %dma_start3A_216 = tpu.memref_squeeze %dma_start3A_215 : memref<1x1x80xi32, #tpu.memory_space<vmem>> -> memref<80xi32, #tpu.memory_space<vmem>>
      %dma_start3A_217 = arith.constant 0 : i32
      %dma_start3A_218 = arith.constant 0 : i32
      %dma_start3A_219 = tpu.memref_slice %arg4[%dma_start3A_217, %dma_start3A_218] : memref<1000000x128xf32, #tpu.memory_space<hbm>> -> memref<1000000x128xf32, #tpu.memory_space<hbm>>
      tpu.enqueue_indirect_dma source(%dma_start3A_213 : memref<80x128xf32, #tpu.memory_space<vmem>>) target(%dma_start3A_219 : memref<1000000x128xf32, #tpu.memory_space<hbm>>) offsets(%dma_start3A_216 : memref<80xi32, #tpu.memory_space<vmem>>) semaphore(%arg9 : memref<!tpu.dma_semaphore, #tpu.memory_space<semaphore_mem>>)
      %dma_start3A_220 = arith.constant 1 : i32
      %dma_start3A_221 = arith.constant 80 : i32
      %dma_start3A_222 = arith.constant 0 : i32
      %dma_start3A_223 = tpu.memref_slice %arg7[%dma_start3A_221, %dma_start3A_222] : memref<320x128xf32, #tpu.memory_space<vmem>> -> memref<80x128xf32, #tpu.memory_space<vmem>>
      %dma_start3A_224 = arith.constant 0 : i32
      %dma_start3A_225 = tpu.memref_slice %arg5[%rem3A_119, %dma_start3A_220, %dma_start3A_224] : memref<2x4x80xi32, #tpu.memory_space<vmem>> -> memref<1x1x80xi32, #tpu.memory_space<vmem>>
      %dma_start3A_226 = tpu.memref_squeeze %dma_start3A_225 : memref<1x1x80xi32, #tpu.memory_space<vmem>> -> memref<80xi32, #tpu.memory_space<vmem>>
      %dma_start3A_227 = arith.constant 0 : i32
      %dma_start3A_228 = arith.constant 0 : i32
      %dma_start3A_229 = tpu.memref_slice %arg4[%dma_start3A_227, %dma_start3A_228] : memref<1000000x128xf32, #tpu.memory_space<hbm>> -> memref<1000000x128xf32, #tpu.memory_space<hbm>>
      tpu.enqueue_indirect_dma source(%dma_start3A_223 : memref<80x128xf32, #tpu.memory_space<vmem>>) target(%dma_start3A_229 : memref<1000000x128xf32, #tpu.memory_space<hbm>>) offsets(%dma_start3A_226 : memref<80xi32, #tpu.memory_space<vmem>>) semaphore(%arg9 : memref<!tpu.dma_semaphore, #tpu.memory_space<semaphore_mem>>)
      %dma_start3A_230 = arith.constant 2 : i32
      %dma_start3A_231 = arith.constant 160 : i32
      %dma_start3A_232 = arith.constant 0 : i32
      %dma_start3A_233 = tpu.memref_slice %arg7[%dma_start3A_231, %dma_start3A_232] : memref<320x128xf32, #tpu.memory_space<vmem>> -> memref<80x128xf32, #tpu.memory_space<vmem>>
      %dma_start3A_234 = arith.constant 0 : i32
      %dma_start3A_235 = tpu.memref_slice %arg5[%rem3A_119, %dma_start3A_230, %dma_start3A_234] : memref<2x4x80xi32, #tpu.memory_space<vmem>> -> memref<1x1x80xi32, #tpu.memory_space<vmem>>
      %dma_start3A_236 = tpu.memref_squeeze %dma_start3A_235 : memref<1x1x80xi32, #tpu.memory_space<vmem>> -> memref<80xi32, #tpu.memory_space<vmem>>
      %dma_start3A_237 = arith.constant 0 : i32
      %dma_start3A_238 = arith.constant 0 : i32
      %dma_start3A_239 = tpu.memref_slice %arg4[%dma_start3A_237, %dma_start3A_238] : memref<1000000x128xf32, #tpu.memory_space<hbm>> -> memref<1000000x128xf32, #tpu.memory_space<hbm>>
      tpu.enqueue_indirect_dma source(%dma_start3A_233 : memref<80x128xf32, #tpu.memory_space<vmem>>) target(%dma_start3A_239 : memref<1000000x128xf32, #tpu.memory_space<hbm>>) offsets(%dma_start3A_236 : memref<80xi32, #tpu.memory_space<vmem>>) semaphore(%arg9 : memref<!tpu.dma_semaphore, #tpu.memory_space<semaphore_mem>>)
      %dma_start3A_240 = arith.constant 3 : i32
      %dma_start3A_241 = arith.constant 240 : i32
      %dma_start3A_242 = arith.constant 0 : i32
      %dma_start3A_243 = tpu.memref_slice %arg7[%dma_start3A_241, %dma_start3A_242] : memref<320x128xf32, #tpu.memory_space<vmem>> -> memref<80x128xf32, #tpu.memory_space<vmem>>
      %dma_start3A_244 = arith.constant 0 : i32
      %dma_start3A_245 = tpu.memref_slice %arg5[%rem3A_119, %dma_start3A_240, %dma_start3A_244] : memref<2x4x80xi32, #tpu.memory_space<vmem>> -> memref<1x1x80xi32, #tpu.memory_space<vmem>>
      %dma_start3A_246 = tpu.memref_squeeze %dma_start3A_245 : memref<1x1x80xi32, #tpu.memory_space<vmem>> -> memref<80xi32, #tpu.memory_space<vmem>>
      %dma_start3A_247 = arith.constant 0 : i32
      %dma_start3A_248 = arith.constant 0 : i32
      %dma_start3A_249 = tpu.memref_slice %arg4[%dma_start3A_247, %dma_start3A_248] : memref<1000000x128xf32, #tpu.memory_space<hbm>> -> memref<1000000x128xf32, #tpu.memory_space<hbm>>
      tpu.enqueue_indirect_dma source(%dma_start3A_243 : memref<80x128xf32, #tpu.memory_space<vmem>>) target(%dma_start3A_249 : memref<1000000x128xf32, #tpu.memory_space<hbm>>) offsets(%dma_start3A_246 : memref<80xi32, #tpu.memory_space<vmem>>) semaphore(%arg9 : memref<!tpu.dma_semaphore, #tpu.memory_space<semaphore_mem>>)
      %dma_wait3A_250 = arith.constant 0 : i32
      %dma_wait3A_251 = arith.constant 0 : i32
      %dma_wait3A_252 = arith.constant 0 : i32
      %dma_wait3A_253 = tpu.memref_slice %arg7[%dma_wait3A_251, %dma_wait3A_252] : memref<320x128xf32, #tpu.memory_space<vmem>> -> memref<80x128xf32, #tpu.memory_space<vmem>>
      %dma_wait3A_254 = arith.constant 0 : i32
      %dma_wait3A_255 = tpu.memref_slice %arg5[%rem3A_119, %dma_wait3A_250, %dma_wait3A_254] : memref<2x4x80xi32, #tpu.memory_space<vmem>> -> memref<1x1x80xi32, #tpu.memory_space<vmem>>
      %dma_wait3A_256 = tpu.memref_squeeze %dma_wait3A_255 : memref<1x1x80xi32, #tpu.memory_space<vmem>> -> memref<80xi32, #tpu.memory_space<vmem>>
      %dma_wait3A_257 = arith.constant 0 : i32
      %dma_wait3A_258 = arith.constant 0 : i32
      %dma_wait3A_259 = tpu.memref_slice %arg4[%dma_wait3A_257, %dma_wait3A_258] : memref<1000000x128xf32, #tpu.memory_space<hbm>> -> memref<1000000x128xf32, #tpu.memory_space<hbm>>
      tpu.wait_indirect_dma semaphore(%arg9 : memref<!tpu.dma_semaphore, #tpu.memory_space<semaphore_mem>>) src(%dma_wait3A_253 : memref<80x128xf32, #tpu.memory_space<vmem>>) dst(%dma_wait3A_259 : memref<1000000x128xf32, #tpu.memory_space<hbm>>)
      %dma_wait3A_260 = arith.constant 1 : i32
      %dma_wait3A_261 = arith.constant 80 : i32
      %dma_wait3A_262 = arith.constant 0 : i32
      %dma_wait3A_263 = tpu.memref_slice %arg7[%dma_wait3A_261, %dma_wait3A_262] : memref<320x128xf32, #tpu.memory_space<vmem>> -> memref<80x128xf32, #tpu.memory_space<vmem>>
      %dma_wait3A_264 = arith.constant 0 : i32
      %dma_wait3A_265 = tpu.memref_slice %arg5[%rem3A_119, %dma_wait3A_260, %dma_wait3A_264] : memref<2x4x80xi32, #tpu.memory_space<vmem>> -> memref<1x1x80xi32, #tpu.memory_space<vmem>>
      %dma_wait3A_266 = tpu.memref_squeeze %dma_wait3A_265 : memref<1x1x80xi32, #tpu.memory_space<vmem>> -> memref<80xi32, #tpu.memory_space<vmem>>
      %dma_wait3A_267 = arith.constant 0 : i32
      %dma_wait3A_268 = arith.constant 0 : i32
      %dma_wait3A_269 = tpu.memref_slice %arg4[%dma_wait3A_267, %dma_wait3A_268] : memref<1000000x128xf32, #tpu.memory_space<hbm>> -> memref<1000000x128xf32, #tpu.memory_space<hbm>>
      tpu.wait_indirect_dma semaphore(%arg9 : memref<!tpu.dma_semaphore, #tpu.memory_space<semaphore_mem>>) src(%dma_wait3A_263 : memref<80x128xf32, #tpu.memory_space<vmem>>) dst(%dma_wait3A_269 : memref<1000000x128xf32, #tpu.memory_space<hbm>>)
      %dma_wait3A_270 = arith.constant 2 : i32
      %dma_wait3A_271 = arith.constant 160 : i32
      %dma_wait3A_272 = arith.constant 0 : i32
      %dma_wait3A_273 = tpu.memref_slice %arg7[%dma_wait3A_271, %dma_wait3A_272] : memref<320x128xf32, #tpu.memory_space<vmem>> -> memref<80x128xf32, #tpu.memory_space<vmem>>
      %dma_wait3A_274 = arith.constant 0 : i32
      %dma_wait3A_275 = tpu.memref_slice %arg5[%rem3A_119, %dma_wait3A_270, %dma_wait3A_274] : memref<2x4x80xi32, #tpu.memory_space<vmem>> -> memref<1x1x80xi32, #tpu.memory_space<vmem>>
      %dma_wait3A_276 = tpu.memref_squeeze %dma_wait3A_275 : memref<1x1x80xi32, #tpu.memory_space<vmem>> -> memref<80xi32, #tpu.memory_space<vmem>>
      %dma_wait3A_277 = arith.constant 0 : i32
      %dma_wait3A_278 = arith.constant 0 : i32
      %dma_wait3A_279 = tpu.memref_slice %arg4[%dma_wait3A_277, %dma_wait3A_278] : memref<1000000x128xf32, #tpu.memory_space<hbm>> -> memref<1000000x128xf32, #tpu.memory_space<hbm>>
      tpu.wait_indirect_dma semaphore(%arg9 : memref<!tpu.dma_semaphore, #tpu.memory_space<semaphore_mem>>) src(%dma_wait3A_273 : memref<80x128xf32, #tpu.memory_space<vmem>>) dst(%dma_wait3A_279 : memref<1000000x128xf32, #tpu.memory_space<hbm>>)
      %dma_wait3A_280 = arith.constant 3 : i32
      %dma_wait3A_281 = arith.constant 240 : i32
      %dma_wait3A_282 = arith.constant 0 : i32
      %dma_wait3A_283 = tpu.memref_slice %arg7[%dma_wait3A_281, %dma_wait3A_282] : memref<320x128xf32, #tpu.memory_space<vmem>> -> memref<80x128xf32, #tpu.memory_space<vmem>>
      %dma_wait3A_284 = arith.constant 0 : i32
      %dma_wait3A_285 = tpu.memref_slice %arg5[%rem3A_119, %dma_wait3A_280, %dma_wait3A_284] : memref<2x4x80xi32, #tpu.memory_space<vmem>> -> memref<1x1x80xi32, #tpu.memory_space<vmem>>
      %dma_wait3A_286 = tpu.memref_squeeze %dma_wait3A_285 : memref<1x1x80xi32, #tpu.memory_space<vmem>> -> memref<80xi32, #tpu.memory_space<vmem>>
      %dma_wait3A_287 = arith.constant 0 : i32
      %dma_wait3A_288 = arith.constant 0 : i32
      %dma_wait3A_289 = tpu.memref_slice %arg4[%dma_wait3A_287, %dma_wait3A_288] : memref<1000000x128xf32, #tpu.memory_space<hbm>> -> memref<1000000x128xf32, #tpu.memory_space<hbm>>
      tpu.wait_indirect_dma semaphore(%arg9 : memref<!tpu.dma_semaphore, #tpu.memory_space<semaphore_mem>>) src(%dma_wait3A_283 : memref<80x128xf32, #tpu.memory_space<vmem>>) dst(%dma_wait3A_289 : memref<1000000x128xf32, #tpu.memory_space<hbm>>)
    }
    %while3A_116 = arith.constant 1 : i32
    scf.for %while3A_117 = %while3A_114 to %while3A_110 step %while3A_116  : i32 {
      %rem3A_118 = arith.constant 2 : i32
      %rem3A_119 = arith.remsi %while3A_117, %rem3A_118 : i32
      %add3A_120 = arith.constant 1 : i32
      %add3A_121 = arith.addi %while3A_117, %add3A_120 : i32
      %rem3A_122 = arith.constant 2 : i32
      %rem3A_123 = arith.remsi %add3A_121, %rem3A_122 : i32
      %add3A_124 = arith.constant 1 : i32
      %add3A_125 = arith.addi %while3A_117, %add3A_124 : i32
      %lt3A = arith.cmpi slt, %add3A_125, %add3A_20 : i32
      %convert_element_type3A = arith.extui %lt3A : i1 to i32
      %cond3A = arith.constant 0 : i32
      %cond3A_126 = arith.cmpi ne, %convert_element_type3A, %cond3A : i32
      scf.if %cond3A_126 {
        %add3A_290 = arith.constant 1 : i32
        %add3A_291 = arith.addi %while3A_117, %add3A_290 : i32
        %mul3A_292 = arith.constant 32 : i32
        %mul3A_293 = arith.muli %add3A_291, %mul3A_292 : i32
        %add3A_294 = arith.addi %add3A, %mul3A_293 : i32
        %mul3A_295 = arith.constant 320 : i32
        %mul3A_296 = arith.muli %add3A_294, %mul3A_295 : i32
        %dma_start3A_297 = arith.constant 0 : i32
        %dma_start3A_298 = arith.constant 0 : i32
        %dma_start3A_299 = tpu.memref_slice %arg6[%rem3A_123, %dma_start3A_297, %dma_start3A_298] : memref<2x320x32xf32, #tpu.memory_space<vmem>> -> memref<1x320x32xf32, #tpu.memory_space<vmem>>
        %dma_start3A_300 = tpu.memref_squeeze %dma_start3A_299 : memref<1x320x32xf32, #tpu.memory_space<vmem>> -> memref<320x32xf32, #tpu.memory_space<vmem>>
        %dma_start3A_301 = arith.constant 0 : i32
        %dma_start3A_302 = tpu.memref_slice %arg2[%mul3A_296, %dma_start3A_301] : memref<1000000x32xf32, #tpu.memory_space<hbm>> -> memref<320x32xf32, #tpu.memory_space<hbm>>
        %dma_start3A_303 = tpu.memref_slice %arg8[%rem3A_123] : memref<2x!tpu.dma_semaphore, #tpu.memory_space<semaphore_mem>> -> memref<1x!tpu.dma_semaphore, #tpu.memory_space<semaphore_mem>>
        %dma_start3A_304 = tpu.memref_squeeze %dma_start3A_303 : memref<1x!tpu.dma_semaphore, #tpu.memory_space<semaphore_mem>> -> memref<!tpu.dma_semaphore, #tpu.memory_space<semaphore_mem>>
        %dma_start3A_305 = arith.constant 0 : i32
        %dma_start3A_306 = arith.constant 0 : i32
        %dma_start3A_307 = tpu.memref_slice %arg6[%rem3A_123, %dma_start3A_305, %dma_start3A_306] : memref<2x320x32xf32, #tpu.memory_space<vmem>> -> memref<1x320x32xf32, #tpu.memory_space<vmem>>
        %dma_start3A_308 = tpu.memref_squeeze %dma_start3A_307 : memref<1x320x32xf32, #tpu.memory_space<vmem>> -> memref<320x32xf32, #tpu.memory_space<vmem>>
        %dma_start3A_309 = arith.constant 0 : i32
        %dma_start3A_310 = tpu.memref_slice %arg2[%mul3A_296, %dma_start3A_309] : memref<1000000x32xf32, #tpu.memory_space<hbm>> -> memref<320x32xf32, #tpu.memory_space<hbm>>
        tpu.enqueue_dma source(%dma_start3A_310 : memref<320x32xf32, #tpu.memory_space<hbm>>) target(%dma_start3A_308 : memref<320x32xf32, #tpu.memory_space<vmem>>) target_semaphore(%dma_start3A_304 : memref<!tpu.dma_semaphore, #tpu.memory_space<semaphore_mem>>)
        %mul3A_311 = arith.constant 320 : i32
        %mul3A_312 = arith.muli %add3A_294, %mul3A_311 : i32
        %add3A_313 = arith.constant 0 : i32
        %add3A_314 = arith.addi %mul3A_312, %add3A_313 : i32
        %dma_start3A_315 = arith.constant 0 : i32
        %dma_start3A_316 = arith.constant 0 : i32
        %dma_start3A_317 = tpu.memref_slice %arg5[%rem3A_123, %dma_start3A_315, %dma_start3A_316] : memref<2x4x80xi32, #tpu.memory_space<vmem>> -> memref<1x1x80xi32, #tpu.memory_space<vmem>>
        %dma_start3A_318 = tpu.memref_squeeze %dma_start3A_317 : memref<1x1x80xi32, #tpu.memory_space<vmem>> -> memref<80xi32, #tpu.memory_space<vmem>>
        %dma_start3A_319 = tpu.memref_slice %arg3[%add3A_314] : memref<1000000xi32, #tpu.memory_space<hbm>> -> memref<80xi32, #tpu.memory_space<hbm>>
        %dma_start3A_320 = tpu.memref_slice %arg8[%rem3A_123] : memref<2x!tpu.dma_semaphore, #tpu.memory_space<semaphore_mem>> -> memref<1x!tpu.dma_semaphore, #tpu.memory_space<semaphore_mem>>
        %dma_start3A_321 = tpu.memref_squeeze %dma_start3A_320 : memref<1x!tpu.dma_semaphore, #tpu.memory_space<semaphore_mem>> -> memref<!tpu.dma_semaphore, #tpu.memory_space<semaphore_mem>>
        %dma_start3A_322 = arith.constant 0 : i32
        %dma_start3A_323 = tpu.memref_slice %arg5[%rem3A_123, %dma_start3A_315, %dma_start3A_322] : memref<2x4x80xi32, #tpu.memory_space<vmem>> -> memref<1x1x80xi32, #tpu.memory_space<vmem>>
        %dma_start3A_324 = tpu.memref_squeeze %dma_start3A_323 : memref<1x1x80xi32, #tpu.memory_space<vmem>> -> memref<80xi32, #tpu.memory_space<vmem>>
        %dma_start3A_325 = tpu.memref_slice %arg3[%add3A_314] : memref<1000000xi32, #tpu.memory_space<hbm>> -> memref<80xi32, #tpu.memory_space<hbm>>
        tpu.enqueue_dma source(%dma_start3A_325 : memref<80xi32, #tpu.memory_space<hbm>>) target(%dma_start3A_324 : memref<80xi32, #tpu.memory_space<vmem>>) target_semaphore(%dma_start3A_321 : memref<!tpu.dma_semaphore, #tpu.memory_space<semaphore_mem>>)
        %mul3A_326 = arith.constant 320 : i32
        %mul3A_327 = arith.muli %add3A_294, %mul3A_326 : i32
        %add3A_328 = arith.constant 80 : i32
        %add3A_329 = arith.addi %mul3A_327, %add3A_328 : i32
        %dma_start3A_330 = arith.constant 1 : i32
        %dma_start3A_331 = arith.constant 0 : i32
        %dma_start3A_332 = tpu.memref_slice %arg5[%rem3A_123, %dma_start3A_330, %dma_start3A_331] : memref<2x4x80xi32, #tpu.memory_space<vmem>> -> memref<1x1x80xi32, #tpu.memory_space<vmem>>
        %dma_start3A_333 = tpu.memref_squeeze %dma_start3A_332 : memref<1x1x80xi32, #tpu.memory_space<vmem>> -> memref<80xi32, #tpu.memory_space<vmem>>
        %dma_start3A_334 = tpu.memref_slice %arg3[%add3A_329] : memref<1000000xi32, #tpu.memory_space<hbm>> -> memref<80xi32, #tpu.memory_space<hbm>>
        %dma_start3A_335 = tpu.memref_slice %arg8[%rem3A_123] : memref<2x!tpu.dma_semaphore, #tpu.memory_space<semaphore_mem>> -> memref<1x!tpu.dma_semaphore, #tpu.memory_space<semaphore_mem>>
        %dma_start3A_336 = tpu.memref_squeeze %dma_start3A_335 : memref<1x!tpu.dma_semaphore, #tpu.memory_space<semaphore_mem>> -> memref<!tpu.dma_semaphore, #tpu.memory_space<semaphore_mem>>
        %dma_start3A_337 = arith.constant 0 : i32
        %dma_start3A_338 = tpu.memref_slice %arg5[%rem3A_123, %dma_start3A_330, %dma_start3A_337] : memref<2x4x80xi32, #tpu.memory_space<vmem>> -> memref<1x1x80xi32, #tpu.memory_space<vmem>>
        %dma_start3A_339 = tpu.memref_squeeze %dma_start3A_338 : memref<1x1x80xi32, #tpu.memory_space<vmem>> -> memref<80xi32, #tpu.memory_space<vmem>>
        %dma_start3A_340 = tpu.memref_slice %arg3[%add3A_329] : memref<1000000xi32, #tpu.memory_space<hbm>> -> memref<80xi32, #tpu.memory_space<hbm>>
        tpu.enqueue_dma source(%dma_start3A_340 : memref<80xi32, #tpu.memory_space<hbm>>) target(%dma_start3A_339 : memref<80xi32, #tpu.memory_space<vmem>>) target_semaphore(%dma_start3A_336 : memref<!tpu.dma_semaphore, #tpu.memory_space<semaphore_mem>>)
        %mul3A_341 = arith.constant 320 : i32
        %mul3A_342 = arith.muli %add3A_294, %mul3A_341 : i32
        %add3A_343 = arith.constant 160 : i32
        %add3A_344 = arith.addi %mul3A_342, %add3A_343 : i32
        %dma_start3A_345 = arith.constant 2 : i32
        %dma_start3A_346 = arith.constant 0 : i32
        %dma_start3A_347 = tpu.memref_slice %arg5[%rem3A_123, %dma_start3A_345, %dma_start3A_346] : memref<2x4x80xi32, #tpu.memory_space<vmem>> -> memref<1x1x80xi32, #tpu.memory_space<vmem>>
        %dma_start3A_348 = tpu.memref_squeeze %dma_start3A_347 : memref<1x1x80xi32, #tpu.memory_space<vmem>> -> memref<80xi32, #tpu.memory_space<vmem>>
        %dma_start3A_349 = tpu.memref_slice %arg3[%add3A_344] : memref<1000000xi32, #tpu.memory_space<hbm>> -> memref<80xi32, #tpu.memory_space<hbm>>
        %dma_start3A_350 = tpu.memref_slice %arg8[%rem3A_123] : memref<2x!tpu.dma_semaphore, #tpu.memory_space<semaphore_mem>> -> memref<1x!tpu.dma_semaphore, #tpu.memory_space<semaphore_mem>>
        %dma_start3A_351 = tpu.memref_squeeze %dma_start3A_350 : memref<1x!tpu.dma_semaphore, #tpu.memory_space<semaphore_mem>> -> memref<!tpu.dma_semaphore, #tpu.memory_space<semaphore_mem>>
        %dma_start3A_352 = arith.constant 0 : i32
        %dma_start3A_353 = tpu.memref_slice %arg5[%rem3A_123, %dma_start3A_345, %dma_start3A_352] : memref<2x4x80xi32, #tpu.memory_space<vmem>> -> memref<1x1x80xi32, #tpu.memory_space<vmem>>
        %dma_start3A_354 = tpu.memref_squeeze %dma_start3A_353 : memref<1x1x80xi32, #tpu.memory_space<vmem>> -> memref<80xi32, #tpu.memory_space<vmem>>
        %dma_start3A_355 = tpu.memref_slice %arg3[%add3A_344] : memref<1000000xi32, #tpu.memory_space<hbm>> -> memref<80xi32, #tpu.memory_space<hbm>>
        tpu.enqueue_dma source(%dma_start3A_355 : memref<80xi32, #tpu.memory_space<hbm>>) target(%dma_start3A_354 : memref<80xi32, #tpu.memory_space<vmem>>) target_semaphore(%dma_start3A_351 : memref<!tpu.dma_semaphore, #tpu.memory_space<semaphore_mem>>)
        %mul3A_356 = arith.constant 320 : i32
        %mul3A_357 = arith.muli %add3A_294, %mul3A_356 : i32
        %add3A_358 = arith.constant 240 : i32
        %add3A_359 = arith.addi %mul3A_357, %add3A_358 : i32
        %dma_start3A_360 = arith.constant 3 : i32
        %dma_start3A_361 = arith.constant 0 : i32
        %dma_start3A_362 = tpu.memref_slice %arg5[%rem3A_123, %dma_start3A_360, %dma_start3A_361] : memref<2x4x80xi32, #tpu.memory_space<vmem>> -> memref<1x1x80xi32, #tpu.memory_space<vmem>>
        %dma_start3A_363 = tpu.memref_squeeze %dma_start3A_362 : memref<1x1x80xi32, #tpu.memory_space<vmem>> -> memref<80xi32, #tpu.memory_space<vmem>>
        %dma_start3A_364 = tpu.memref_slice %arg3[%add3A_359] : memref<1000000xi32, #tpu.memory_space<hbm>> -> memref<80xi32, #tpu.memory_space<hbm>>
        %dma_start3A_365 = tpu.memref_slice %arg8[%rem3A_123] : memref<2x!tpu.dma_semaphore, #tpu.memory_space<semaphore_mem>> -> memref<1x!tpu.dma_semaphore, #tpu.memory_space<semaphore_mem>>
        %dma_start3A_366 = tpu.memref_squeeze %dma_start3A_365 : memref<1x!tpu.dma_semaphore, #tpu.memory_space<semaphore_mem>> -> memref<!tpu.dma_semaphore, #tpu.memory_space<semaphore_mem>>
        %dma_start3A_367 = arith.constant 0 : i32
        %dma_start3A_368 = tpu.memref_slice %arg5[%rem3A_123, %dma_start3A_360, %dma_start3A_367] : memref<2x4x80xi32, #tpu.memory_space<vmem>> -> memref<1x1x80xi32, #tpu.memory_space<vmem>>
        %dma_start3A_369 = tpu.memref_squeeze %dma_start3A_368 : memref<1x1x80xi32, #tpu.memory_space<vmem>> -> memref<80xi32, #tpu.memory_space<vmem>>
        %dma_start3A_370 = tpu.memref_slice %arg3[%add3A_359] : memref<1000000xi32, #tpu.memory_space<hbm>> -> memref<80xi32, #tpu.memory_space<hbm>>
        tpu.enqueue_dma source(%dma_start3A_370 : memref<80xi32, #tpu.memory_space<hbm>>) target(%dma_start3A_369 : memref<80xi32, #tpu.memory_space<vmem>>) target_semaphore(%dma_start3A_366 : memref<!tpu.dma_semaphore, #tpu.memory_space<semaphore_mem>>)
      } else {
      }
      %mul3A_127 = arith.constant 32 : i32
      %mul3A_128 = arith.muli %while3A_117, %mul3A_127 : i32
      %add3A_129 = arith.addi %add3A, %mul3A_128 : i32
      %mul3A_130 = arith.constant 320 : i32
      %mul3A_131 = arith.muli %add3A_129, %mul3A_130 : i32
      %dma_wait3A = arith.constant 0 : i32
      %dma_wait3A_132 = arith.constant 0 : i32
      %dma_wait3A_133 = tpu.memref_slice %arg6[%rem3A_119, %dma_wait3A, %dma_wait3A_132] : memref<2x320x32xf32, #tpu.memory_space<vmem>> -> memref<1x320x32xf32, #tpu.memory_space<vmem>>
      %dma_wait3A_134 = tpu.memref_squeeze %dma_wait3A_133 : memref<1x320x32xf32, #tpu.memory_space<vmem>> -> memref<320x32xf32, #tpu.memory_space<vmem>>
      %dma_wait3A_135 = arith.constant 0 : i32
      %dma_wait3A_136 = tpu.memref_slice %arg2[%mul3A_131, %dma_wait3A_135] : memref<1000000x32xf32, #tpu.memory_space<hbm>> -> memref<320x32xf32, #tpu.memory_space<hbm>>
      %dma_wait3A_137 = tpu.memref_slice %arg8[%rem3A_119] : memref<2x!tpu.dma_semaphore, #tpu.memory_space<semaphore_mem>> -> memref<1x!tpu.dma_semaphore, #tpu.memory_space<semaphore_mem>>
      %dma_wait3A_138 = tpu.memref_squeeze %dma_wait3A_137 : memref<1x!tpu.dma_semaphore, #tpu.memory_space<semaphore_mem>> -> memref<!tpu.dma_semaphore, #tpu.memory_space<semaphore_mem>>
      %dma_wait3A_139 = arith.constant 0 : i32
      %dma_wait3A_140 = arith.constant 0 : i32
      %dma_wait3A_141 = tpu.memref_slice %arg6[%rem3A_119, %dma_wait3A_139, %dma_wait3A_140] : memref<2x320x32xf32, #tpu.memory_space<vmem>> -> memref<1x320x32xf32, #tpu.memory_space<vmem>>
      %dma_wait3A_142 = tpu.memref_squeeze %dma_wait3A_141 : memref<1x320x32xf32, #tpu.memory_space<vmem>> -> memref<320x32xf32, #tpu.memory_space<vmem>>
      %dma_wait3A_143 = arith.constant 0 : i32
      %dma_wait3A_144 = tpu.memref_slice %arg2[%mul3A_131, %dma_wait3A_143] : memref<1000000x32xf32, #tpu.memory_space<hbm>> -> memref<320x32xf32, #tpu.memory_space<hbm>>
      tpu.wait_dma2 semaphore(%dma_wait3A_138 : memref<!tpu.dma_semaphore, #tpu.memory_space<semaphore_mem>>) src(%dma_wait3A_144 : memref<320x32xf32, #tpu.memory_space<hbm>>) dst(%dma_wait3A_142 : memref<320x32xf32, #tpu.memory_space<vmem>>)
      %mul3A_145 = arith.constant 320 : i32
      %mul3A_146 = arith.muli %add3A_129, %mul3A_145 : i32
      %add3A_147 = arith.constant 0 : i32
      %add3A_148 = arith.addi %mul3A_146, %add3A_147 : i32
      %dma_wait3A_149 = arith.constant 0 : i32
      %dma_wait3A_150 = arith.constant 0 : i32
      %dma_wait3A_151 = tpu.memref_slice %arg5[%rem3A_119, %dma_wait3A_149, %dma_wait3A_150] : memref<2x4x80xi32, #tpu.memory_space<vmem>> -> memref<1x1x80xi32, #tpu.memory_space<vmem>>
      %dma_wait3A_152 = tpu.memref_squeeze %dma_wait3A_151 : memref<1x1x80xi32, #tpu.memory_space<vmem>> -> memref<80xi32, #tpu.memory_space<vmem>>
      %dma_wait3A_153 = tpu.memref_slice %arg3[%add3A_148] : memref<1000000xi32, #tpu.memory_space<hbm>> -> memref<80xi32, #tpu.memory_space<hbm>>
      %dma_wait3A_154 = tpu.memref_slice %arg8[%rem3A_119] : memref<2x!tpu.dma_semaphore, #tpu.memory_space<semaphore_mem>> -> memref<1x!tpu.dma_semaphore, #tpu.memory_space<semaphore_mem>>
      %dma_wait3A_155 = tpu.memref_squeeze %dma_wait3A_154 : memref<1x!tpu.dma_semaphore, #tpu.memory_space<semaphore_mem>> -> memref<!tpu.dma_semaphore, #tpu.memory_space<semaphore_mem>>
      %dma_wait3A_156 = arith.constant 0 : i32
      %dma_wait3A_157 = tpu.memref_slice %arg5[%rem3A_119, %dma_wait3A_149, %dma_wait3A_156] : memref<2x4x80xi32, #tpu.memory_space<vmem>> -> memref<1x1x80xi32, #tpu.memory_space<vmem>>
      %dma_wait3A_158 = tpu.memref_squeeze %dma_wait3A_157 : memref<1x1x80xi32, #tpu.memory_space<vmem>> -> memref<80xi32, #tpu.memory_space<vmem>>
      %dma_wait3A_159 = tpu.memref_slice %arg3[%add3A_148] : memref<1000000xi32, #tpu.memory_space<hbm>> -> memref<80xi32, #tpu.memory_space<hbm>>
      tpu.wait_dma2 semaphore(%dma_wait3A_155 : memref<!tpu.dma_semaphore, #tpu.memory_space<semaphore_mem>>) src(%dma_wait3A_159 : memref<80xi32, #tpu.memory_space<hbm>>) dst(%dma_wait3A_158 : memref<80xi32, #tpu.memory_space<vmem>>)
      %mul3A_160 = arith.constant 320 : i32
      %mul3A_161 = arith.muli %add3A_129, %mul3A_160 : i32
      %add3A_162 = arith.constant 80 : i32
      %add3A_163 = arith.addi %mul3A_161, %add3A_162 : i32
      %dma_wait3A_164 = arith.constant 1 : i32
      %dma_wait3A_165 = arith.constant 0 : i32
      %dma_wait3A_166 = tpu.memref_slice %arg5[%rem3A_119, %dma_wait3A_164, %dma_wait3A_165] : memref<2x4x80xi32, #tpu.memory_space<vmem>> -> memref<1x1x80xi32, #tpu.memory_space<vmem>>
      %dma_wait3A_167 = tpu.memref_squeeze %dma_wait3A_166 : memref<1x1x80xi32, #tpu.memory_space<vmem>> -> memref<80xi32, #tpu.memory_space<vmem>>
      %dma_wait3A_168 = tpu.memref_slice %arg3[%add3A_163] : memref<1000000xi32, #tpu.memory_space<hbm>> -> memref<80xi32, #tpu.memory_space<hbm>>
      %dma_wait3A_169 = tpu.memref_slice %arg8[%rem3A_119] : memref<2x!tpu.dma_semaphore, #tpu.memory_space<semaphore_mem>> -> memref<1x!tpu.dma_semaphore, #tpu.memory_space<semaphore_mem>>
      %dma_wait3A_170 = tpu.memref_squeeze %dma_wait3A_169 : memref<1x!tpu.dma_semaphore, #tpu.memory_space<semaphore_mem>> -> memref<!tpu.dma_semaphore, #tpu.memory_space<semaphore_mem>>
      %dma_wait3A_171 = arith.constant 0 : i32
      %dma_wait3A_172 = tpu.memref_slice %arg5[%rem3A_119, %dma_wait3A_164, %dma_wait3A_171] : memref<2x4x80xi32, #tpu.memory_space<vmem>> -> memref<1x1x80xi32, #tpu.memory_space<vmem>>
      %dma_wait3A_173 = tpu.memref_squeeze %dma_wait3A_172 : memref<1x1x80xi32, #tpu.memory_space<vmem>> -> memref<80xi32, #tpu.memory_space<vmem>>
      %dma_wait3A_174 = tpu.memref_slice %arg3[%add3A_163] : memref<1000000xi32, #tpu.memory_space<hbm>> -> memref<80xi32, #tpu.memory_space<hbm>>
      tpu.wait_dma2 semaphore(%dma_wait3A_170 : memref<!tpu.dma_semaphore, #tpu.memory_space<semaphore_mem>>) src(%dma_wait3A_174 : memref<80xi32, #tpu.memory_space<hbm>>) dst(%dma_wait3A_173 : memref<80xi32, #tpu.memory_space<vmem>>)
      %mul3A_175 = arith.constant 320 : i32
      %mul3A_176 = arith.muli %add3A_129, %mul3A_175 : i32
      %add3A_177 = arith.constant 160 : i32
      %add3A_178 = arith.addi %mul3A_176, %add3A_177 : i32
      %dma_wait3A_179 = arith.constant 2 : i32
      %dma_wait3A_180 = arith.constant 0 : i32
      %dma_wait3A_181 = tpu.memref_slice %arg5[%rem3A_119, %dma_wait3A_179, %dma_wait3A_180] : memref<2x4x80xi32, #tpu.memory_space<vmem>> -> memref<1x1x80xi32, #tpu.memory_space<vmem>>
      %dma_wait3A_182 = tpu.memref_squeeze %dma_wait3A_181 : memref<1x1x80xi32, #tpu.memory_space<vmem>> -> memref<80xi32, #tpu.memory_space<vmem>>
      %dma_wait3A_183 = tpu.memref_slice %arg3[%add3A_178] : memref<1000000xi32, #tpu.memory_space<hbm>> -> memref<80xi32, #tpu.memory_space<hbm>>
      %dma_wait3A_184 = tpu.memref_slice %arg8[%rem3A_119] : memref<2x!tpu.dma_semaphore, #tpu.memory_space<semaphore_mem>> -> memref<1x!tpu.dma_semaphore, #tpu.memory_space<semaphore_mem>>
      %dma_wait3A_185 = tpu.memref_squeeze %dma_wait3A_184 : memref<1x!tpu.dma_semaphore, #tpu.memory_space<semaphore_mem>> -> memref<!tpu.dma_semaphore, #tpu.memory_space<semaphore_mem>>
      %dma_wait3A_186 = arith.constant 0 : i32
      %dma_wait3A_187 = tpu.memref_slice %arg5[%rem3A_119, %dma_wait3A_179, %dma_wait3A_186] : memref<2x4x80xi32, #tpu.memory_space<vmem>> -> memref<1x1x80xi32, #tpu.memory_space<vmem>>
      %dma_wait3A_188 = tpu.memref_squeeze %dma_wait3A_187 : memref<1x1x80xi32, #tpu.memory_space<vmem>> -> memref<80xi32, #tpu.memory_space<vmem>>
      %dma_wait3A_189 = tpu.memref_slice %arg3[%add3A_178] : memref<1000000xi32, #tpu.memory_space<hbm>> -> memref<80xi32, #tpu.memory_space<hbm>>
      tpu.wait_dma2 semaphore(%dma_wait3A_185 : memref<!tpu.dma_semaphore, #tpu.memory_space<semaphore_mem>>) src(%dma_wait3A_189 : memref<80xi32, #tpu.memory_space<hbm>>) dst(%dma_wait3A_188 : memref<80xi32, #tpu.memory_space<vmem>>)
      %mul3A_190 = arith.constant 320 : i32
      %mul3A_191 = arith.muli %add3A_129, %mul3A_190 : i32
      %add3A_192 = arith.constant 240 : i32
      %add3A_193 = arith.addi %mul3A_191, %add3A_192 : i32
      %dma_wait3A_194 = arith.constant 3 : i32
      %dma_wait3A_195 = arith.constant 0 : i32
      %dma_wait3A_196 = tpu.memref_slice %arg5[%rem3A_119, %dma_wait3A_194, %dma_wait3A_195] : memref<2x4x80xi32, #tpu.memory_space<vmem>> -> memref<1x1x80xi32, #tpu.memory_space<vmem>>
      %dma_wait3A_197 = tpu.memref_squeeze %dma_wait3A_196 : memref<1x1x80xi32, #tpu.memory_space<vmem>> -> memref<80xi32, #tpu.memory_space<vmem>>
      %dma_wait3A_198 = tpu.memref_slice %arg3[%add3A_193] : memref<1000000xi32, #tpu.memory_space<hbm>> -> memref<80xi32, #tpu.memory_space<hbm>>
      %dma_wait3A_199 = tpu.memref_slice %arg8[%rem3A_119] : memref<2x!tpu.dma_semaphore, #tpu.memory_space<semaphore_mem>> -> memref<1x!tpu.dma_semaphore, #tpu.memory_space<semaphore_mem>>
      %dma_wait3A_200 = tpu.memref_squeeze %dma_wait3A_199 : memref<1x!tpu.dma_semaphore, #tpu.memory_space<semaphore_mem>> -> memref<!tpu.dma_semaphore, #tpu.memory_space<semaphore_mem>>
      %dma_wait3A_201 = arith.constant 0 : i32
      %dma_wait3A_202 = tpu.memref_slice %arg5[%rem3A_119, %dma_wait3A_194, %dma_wait3A_201] : memref<2x4x80xi32, #tpu.memory_space<vmem>> -> memref<1x1x80xi32, #tpu.memory_space<vmem>>
      %dma_wait3A_203 = tpu.memref_squeeze %dma_wait3A_202 : memref<1x1x80xi32, #tpu.memory_space<vmem>> -> memref<80xi32, #tpu.memory_space<vmem>>
      %dma_wait3A_204 = tpu.memref_slice %arg3[%add3A_193] : memref<1000000xi32, #tpu.memory_space<hbm>> -> memref<80xi32, #tpu.memory_space<hbm>>
      tpu.wait_dma2 semaphore(%dma_wait3A_200 : memref<!tpu.dma_semaphore, #tpu.memory_space<semaphore_mem>>) src(%dma_wait3A_204 : memref<80xi32, #tpu.memory_space<hbm>>) dst(%dma_wait3A_203 : memref<80xi32, #tpu.memory_space<vmem>>)
      %scan3A = arith.constant 0 : i32
      %scan3A_205 = arith.constant 0 : i32
      %scan3A_206 = arith.constant 80 : i32
      %scan3A_207 = arith.addi %scan3A_205, %scan3A_206 : i32
      %scan3A_208 = arith.constant 1 : i32
      scf.for %scan3A_290 = %scan3A_205 to %scan3A_207 step %scan3A_208  : i32 {
        %mul3A_291 = arith.constant 4 : i32
        %mul3A_292 = arith.muli %scan3A_290, %mul3A_291 : i32
        %add3A_293 = arith.constant 0 : i32
        %add3A_294 = arith.addi %mul3A_292, %add3A_293 : i32
        %get3A = arith.index_cast %rem3A_119 : i32 to index
        %get3A_295 = arith.index_cast %add3A_294 : i32 to index
        %get3A_296 = arith.constant 0 : index
        %get3A_297 = tpu.vector_load %arg6[%get3A, %get3A_295, %get3A_296] {strides = array<i32>} : memref<2x320x32xf32, #tpu.memory_space<vmem>>, vector<1x1x16xf32>,
        %get3A_298 = vector.shape_cast %get3A_297 : vector<1x1x16xf32> to vector<16xf32>
        %swap3A = arith.index_cast %add3A_294 : i32 to index
        %swap3A_299 = arith.constant 0 : index
        %swap3A_300 = tpu.vector_load %arg7[%swap3A, %swap3A_299] {strides = array<i32>} : memref<320x128xf32, #tpu.memory_space<vmem>>, vector<1x16xf32>,
        %swap3A_301 = vector.shape_cast %swap3A_300 : vector<1x16xf32> to vector<16xf32>
        %swap3A_302 = vector.shape_cast %get3A_298 : vector<16xf32> to vector<1x16xf32>
        tpu.vector_store %arg7[%swap3A, %swap3A_299], %swap3A_302 {strides = array<i32>} : memref<320x128xf32, #tpu.memory_space<vmem>>, vector<1x16xf32>,
        %get3A_303 = arith.index_cast %rem3A_119 : i32 to index
        %get3A_304 = arith.index_cast %add3A_294 : i32 to index
        %get3A_305 = arith.constant 16 : index
        %get3A_306 = tpu.vector_load %arg6[%get3A_303, %get3A_304, %get3A_305] {strides = array<i32>} : memref<2x320x32xf32, #tpu.memory_space<vmem>>, vector<1x1x16xf32>,
        %get3A_307 = vector.shape_cast %get3A_306 : vector<1x1x16xf32> to vector<16xf32>
        %swap3A_308 = arith.index_cast %add3A_294 : i32 to index
        %swap3A_309 = arith.constant 16 : index
        %swap3A_310 = tpu.vector_load %arg7[%swap3A_308, %swap3A_309] {strides = array<i32>} : memref<320x128xf32, #tpu.memory_space<vmem>>, vector<1x16xf32>,
        %swap3A_311 = vector.shape_cast %swap3A_310 : vector<1x16xf32> to vector<16xf32>
        %swap3A_312 = vector.shape_cast %get3A_307 : vector<16xf32> to vector<1x16xf32>
        tpu.vector_store %arg7[%swap3A_308, %swap3A_309], %swap3A_312 {strides = array<i32>} : memref<320x128xf32, #tpu.memory_space<vmem>>, vector<1x16xf32>,
        %mul3A_313 = arith.constant 4 : i32
        %mul3A_314 = arith.muli %scan3A_290, %mul3A_313 : i32
        %add3A_315 = arith.constant 1 : i32
        %add3A_316 = arith.addi %mul3A_314, %add3A_315 : i32
        %get3A_317 = arith.index_cast %rem3A_119 : i32 to index
        %get3A_318 = arith.index_cast %add3A_316 : i32 to index
        %get3A_319 = arith.constant 0 : index
        %get3A_320 = tpu.vector_load %arg6[%get3A_317, %get3A_318, %get3A_319] {strides = array<i32>} : memref<2x320x32xf32, #tpu.memory_space<vmem>>, vector<1x1x16xf32>,
        %get3A_321 = vector.shape_cast %get3A_320 : vector<1x1x16xf32> to vector<16xf32>
        %swap3A_322 = arith.index_cast %add3A_316 : i32 to index
        %swap3A_323 = arith.constant 0 : index
        %swap3A_324 = tpu.vector_load %arg7[%swap3A_322, %swap3A_323] {strides = array<i32>} : memref<320x128xf32, #tpu.memory_space<vmem>>, vector<1x16xf32>,
        %swap3A_325 = vector.shape_cast %swap3A_324 : vector<1x16xf32> to vector<16xf32>
        %swap3A_326 = vector.shape_cast %get3A_321 : vector<16xf32> to vector<1x16xf32>
        tpu.vector_store %arg7[%swap3A_322, %swap3A_323], %swap3A_326 {strides = array<i32>} : memref<320x128xf32, #tpu.memory_space<vmem>>, vector<1x16xf32>,
        %get3A_327 = arith.index_cast %rem3A_119 : i32 to index
        %get3A_328 = arith.index_cast %add3A_316 : i32 to index
        %get3A_329 = arith.constant 16 : index
        %get3A_330 = tpu.vector_load %arg6[%get3A_327, %get3A_328, %get3A_329] {strides = array<i32>} : memref<2x320x32xf32, #tpu.memory_space<vmem>>, vector<1x1x16xf32>,
        %get3A_331 = vector.shape_cast %get3A_330 : vector<1x1x16xf32> to vector<16xf32>
        %swap3A_332 = arith.index_cast %add3A_316 : i32 to index
        %swap3A_333 = arith.constant 16 : index
        %swap3A_334 = tpu.vector_load %arg7[%swap3A_332, %swap3A_333] {strides = array<i32>} : memref<320x128xf32, #tpu.memory_space<vmem>>, vector<1x16xf32>,
        %swap3A_335 = vector.shape_cast %swap3A_334 : vector<1x16xf32> to vector<16xf32>
        %swap3A_336 = vector.shape_cast %get3A_331 : vector<16xf32> to vector<1x16xf32>
        tpu.vector_store %arg7[%swap3A_332, %swap3A_333], %swap3A_336 {strides = array<i32>} : memref<320x128xf32, #tpu.memory_space<vmem>>, vector<1x16xf32>,
        %mul3A_337 = arith.constant 4 : i32
        %mul3A_338 = arith.muli %scan3A_290, %mul3A_337 : i32
        %add3A_339 = arith.constant 2 : i32
        %add3A_340 = arith.addi %mul3A_338, %add3A_339 : i32
        %get3A_341 = arith.index_cast %rem3A_119 : i32 to index
        %get3A_342 = arith.index_cast %add3A_340 : i32 to index
        %get3A_343 = arith.constant 0 : index
        %get3A_344 = tpu.vector_load %arg6[%get3A_341, %get3A_342, %get3A_343] {strides = array<i32>} : memref<2x320x32xf32, #tpu.memory_space<vmem>>, vector<1x1x16xf32>,
        %get3A_345 = vector.shape_cast %get3A_344 : vector<1x1x16xf32> to vector<16xf32>
        %swap3A_346 = arith.index_cast %add3A_340 : i32 to index
        %swap3A_347 = arith.constant 0 : index
        %swap3A_348 = tpu.vector_load %arg7[%swap3A_346, %swap3A_347] {strides = array<i32>} : memref<320x128xf32, #tpu.memory_space<vmem>>, vector<1x16xf32>,
        %swap3A_349 = vector.shape_cast %swap3A_348 : vector<1x16xf32> to vector<16xf32>
        %swap3A_350 = vector.shape_cast %get3A_345 : vector<16xf32> to vector<1x16xf32>
        tpu.vector_store %arg7[%swap3A_346, %swap3A_347], %swap3A_350 {strides = array<i32>} : memref<320x128xf32, #tpu.memory_space<vmem>>, vector<1x16xf32>,
        %get3A_351 = arith.index_cast %rem3A_119 : i32 to index
        %get3A_352 = arith.index_cast %add3A_340 : i32 to index
        %get3A_353 = arith.constant 16 : index
        %get3A_354 = tpu.vector_load %arg6[%get3A_351, %get3A_352, %get3A_353] {strides = array<i32>} : memref<2x320x32xf32, #tpu.memory_space<vmem>>, vector<1x1x16xf32>,
        %get3A_355 = vector.shape_cast %get3A_354 : vector<1x1x16xf32> to vector<16xf32>
        %swap3A_356 = arith.index_cast %add3A_340 : i32 to index
        %swap3A_357 = arith.constant 16 : index
        %swap3A_358 = tpu.vector_load %arg7[%swap3A_356, %swap3A_357] {strides = array<i32>} : memref<320x128xf32, #tpu.memory_space<vmem>>, vector<1x16xf32>,
        %swap3A_359 = vector.shape_cast %swap3A_358 : vector<1x16xf32> to vector<16xf32>
        %swap3A_360 = vector.shape_cast %get3A_355 : vector<16xf32> to vector<1x16xf32>
        tpu.vector_store %arg7[%swap3A_356, %swap3A_357], %swap3A_360 {strides = array<i32>} : memref<320x128xf32, #tpu.memory_space<vmem>>, vector<1x16xf32>,
        %mul3A_361 = arith.constant 4 : i32
        %mul3A_362 = arith.muli %scan3A_290, %mul3A_361 : i32
        %add3A_363 = arith.constant 3 : i32
        %add3A_364 = arith.addi %mul3A_362, %add3A_363 : i32
        %get3A_365 = arith.index_cast %rem3A_119 : i32 to index
        %get3A_366 = arith.index_cast %add3A_364 : i32 to index
        %get3A_367 = arith.constant 0 : index
        %get3A_368 = tpu.vector_load %arg6[%get3A_365, %get3A_366, %get3A_367] {strides = array<i32>} : memref<2x320x32xf32, #tpu.memory_space<vmem>>, vector<1x1x16xf32>,
        %get3A_369 = vector.shape_cast %get3A_368 : vector<1x1x16xf32> to vector<16xf32>
        %swap3A_370 = arith.index_cast %add3A_364 : i32 to index
        %swap3A_371 = arith.constant 0 : index
        %swap3A_372 = tpu.vector_load %arg7[%swap3A_370, %swap3A_371] {strides = array<i32>} : memref<320x128xf32, #tpu.memory_space<vmem>>, vector<1x16xf32>,
        %swap3A_373 = vector.shape_cast %swap3A_372 : vector<1x16xf32> to vector<16xf32>
        %swap3A_374 = vector.shape_cast %get3A_369 : vector<16xf32> to vector<1x16xf32>
        tpu.vector_store %arg7[%swap3A_370, %swap3A_371], %swap3A_374 {strides = array<i32>} : memref<320x128xf32, #tpu.memory_space<vmem>>, vector<1x16xf32>,
        %get3A_375 = arith.index_cast %rem3A_119 : i32 to index
        %get3A_376 = arith.index_cast %add3A_364 : i32 to index
        %get3A_377 = arith.constant 16 : index
        %get3A_378 = tpu.vector_load %arg6[%get3A_375, %get3A_376, %get3A_377] {strides = array<i32>} : memref<2x320x32xf32, #tpu.memory_space<vmem>>, vector<1x1x16xf32>,
        %get3A_379 = vector.shape_cast %get3A_378 : vector<1x1x16xf32> to vector<16xf32>
        %swap3A_380 = arith.index_cast %add3A_364 : i32 to index
        %swap3A_381 = arith.constant 16 : index
        %swap3A_382 = tpu.vector_load %arg7[%swap3A_380, %swap3A_381] {strides = array<i32>} : memref<320x128xf32, #tpu.memory_space<vmem>>, vector<1x16xf32>,
        %swap3A_383 = vector.shape_cast %swap3A_382 : vector<1x16xf32> to vector<16xf32>
        %swap3A_384 = vector.shape_cast %get3A_379 : vector<16xf32> to vector<1x16xf32>
        tpu.vector_store %arg7[%swap3A_380, %swap3A_381], %swap3A_384 {strides = array<i32>} : memref<320x128xf32, #tpu.memory_space<vmem>>, vector<1x16xf32>,
      }
      %scan3A_209 = arith.constant 80 : i32
      %dma_start3A_210 = arith.constant 0 : i32
      %dma_start3A_211 = arith.constant 0 : i32
      %dma_start3A_212 = arith.constant 0 : i32
      %dma_start3A_213 = tpu.memref_slice %arg7[%dma_start3A_211, %dma_start3A_212] : memref<320x128xf32, #tpu.memory_space<vmem>> -> memref<80x128xf32, #tpu.memory_space<vmem>>
      %dma_start3A_214 = arith.constant 0 : i32
      %dma_start3A_215 = tpu.memref_slice %arg5[%rem3A_119, %dma_start3A_210, %dma_start3A_214] : memref<2x4x80xi32, #tpu.memory_space<vmem>> -> memref<1x1x80xi32, #tpu.memory_space<vmem>>
      %dma_start3A_216 = tpu.memref_squeeze %dma_start3A_215 : memref<1x1x80xi32, #tpu.memory_space<vmem>> -> memref<80xi32, #tpu.memory_space<vmem>>
      %dma_start3A_217 = arith.constant 0 : i32
      %dma_start3A_218 = arith.constant 0 : i32
      %dma_start3A_219 = tpu.memref_slice %arg4[%dma_start3A_217, %dma_start3A_218] : memref<1000000x128xf32, #tpu.memory_space<hbm>> -> memref<1000000x128xf32, #tpu.memory_space<hbm>>
      tpu.enqueue_indirect_dma source(%dma_start3A_213 : memref<80x128xf32, #tpu.memory_space<vmem>>) target(%dma_start3A_219 : memref<1000000x128xf32, #tpu.memory_space<hbm>>) offsets(%dma_start3A_216 : memref<80xi32, #tpu.memory_space<vmem>>) semaphore(%arg9 : memref<!tpu.dma_semaphore, #tpu.memory_space<semaphore_mem>>)
      %dma_start3A_220 = arith.constant 1 : i32
      %dma_start3A_221 = arith.constant 80 : i32
      %dma_start3A_222 = arith.constant 0 : i32
      %dma_start3A_223 = tpu.memref_slice %arg7[%dma_start3A_221, %dma_start3A_222] : memref<320x128xf32, #tpu.memory_space<vmem>> -> memref<80x128xf32, #tpu.memory_space<vmem>>
      %dma_start3A_224 = arith.constant 0 : i32
      %dma_start3A_225 = tpu.memref_slice %arg5[%rem3A_119, %dma_start3A_220, %dma_start3A_224] : memref<2x4x80xi32, #tpu.memory_space<vmem>> -> memref<1x1x80xi32, #tpu.memory_space<vmem>>
      %dma_start3A_226 = tpu.memref_squeeze %dma_start3A_225 : memref<1x1x80xi32, #tpu.memory_space<vmem>> -> memref<80xi32, #tpu.memory_space<vmem>>
      %dma_start3A_227 = arith.constant 0 : i32
      %dma_start3A_228 = arith.constant 0 : i32
      %dma_start3A_229 = tpu.memref_slice %arg4[%dma_start3A_227, %dma_start3A_228] : memref<1000000x128xf32, #tpu.memory_space<hbm>> -> memref<1000000x128xf32, #tpu.memory_space<hbm>>
      tpu.enqueue_indirect_dma source(%dma_start3A_223 : memref<80x128xf32, #tpu.memory_space<vmem>>) target(%dma_start3A_229 : memref<1000000x128xf32, #tpu.memory_space<hbm>>) offsets(%dma_start3A_226 : memref<80xi32, #tpu.memory_space<vmem>>) semaphore(%arg9 : memref<!tpu.dma_semaphore, #tpu.memory_space<semaphore_mem>>)
      %dma_start3A_230 = arith.constant 2 : i32
      %dma_start3A_231 = arith.constant 160 : i32
      %dma_start3A_232 = arith.constant 0 : i32
      %dma_start3A_233 = tpu.memref_slice %arg7[%dma_start3A_231, %dma_start3A_232] : memref<320x128xf32, #tpu.memory_space<vmem>> -> memref<80x128xf32, #tpu.memory_space<vmem>>
      %dma_start3A_234 = arith.constant 0 : i32
      %dma_start3A_235 = tpu.memref_slice %arg5[%rem3A_119, %dma_start3A_230, %dma_start3A_234] : memref<2x4x80xi32, #tpu.memory_space<vmem>> -> memref<1x1x80xi32, #tpu.memory_space<vmem>>
      %dma_start3A_236 = tpu.memref_squeeze %dma_start3A_235 : memref<1x1x80xi32, #tpu.memory_space<vmem>> -> memref<80xi32, #tpu.memory_space<vmem>>
      %dma_start3A_237 = arith.constant 0 : i32
      %dma_start3A_238 = arith.constant 0 : i32
      %dma_start3A_239 = tpu.memref_slice %arg4[%dma_start3A_237, %dma_start3A_238] : memref<1000000x128xf32, #tpu.memory_space<hbm>> -> memref<1000000x128xf32, #tpu.memory_space<hbm>>
      tpu.enqueue_indirect_dma source(%dma_start3A_233 : memref<80x128xf32, #tpu.memory_space<vmem>>) target(%dma_start3A_239 : memref<1000000x128xf32, #tpu.memory_space<hbm>>) offsets(%dma_start3A_236 : memref<80xi32, #tpu.memory_space<vmem>>) semaphore(%arg9 : memref<!tpu.dma_semaphore, #tpu.memory_space<semaphore_mem>>)
      %dma_start3A_240 = arith.constant 3 : i32
      %dma_start3A_241 = arith.constant 240 : i32
      %dma_start3A_242 = arith.constant 0 : i32
      %dma_start3A_243 = tpu.memref_slice %arg7[%dma_start3A_241, %dma_start3A_242] : memref<320x128xf32, #tpu.memory_space<vmem>> -> memref<80x128xf32, #tpu.memory_space<vmem>>
      %dma_start3A_244 = arith.constant 0 : i32
      %dma_start3A_245 = tpu.memref_slice %arg5[%rem3A_119, %dma_start3A_240, %dma_start3A_244] : memref<2x4x80xi32, #tpu.memory_space<vmem>> -> memref<1x1x80xi32, #tpu.memory_space<vmem>>
      %dma_start3A_246 = tpu.memref_squeeze %dma_start3A_245 : memref<1x1x80xi32, #tpu.memory_space<vmem>> -> memref<80xi32, #tpu.memory_space<vmem>>
      %dma_start3A_247 = arith.constant 0 : i32
      %dma_start3A_248 = arith.constant 0 : i32
      %dma_start3A_249 = tpu.memref_slice %arg4[%dma_start3A_247, %dma_start3A_248] : memref<1000000x128xf32, #tpu.memory_space<hbm>> -> memref<1000000x128xf32, #tpu.memory_space<hbm>>
      tpu.enqueue_indirect_dma source(%dma_start3A_243 : memref<80x128xf32, #tpu.memory_space<vmem>>) target(%dma_start3A_249 : memref<1000000x128xf32, #tpu.memory_space<hbm>>) offsets(%dma_start3A_246 : memref<80xi32, #tpu.memory_space<vmem>>) semaphore(%arg9 : memref<!tpu.dma_semaphore, #tpu.memory_space<semaphore_mem>>)
      %dma_wait3A_250 = arith.constant 0 : i32
      %dma_wait3A_251 = arith.constant 0 : i32
      %dma_wait3A_252 = arith.constant 0 : i32
      %dma_wait3A_253 = tpu.memref_slice %arg7[%dma_wait3A_251, %dma_wait3A_252] : memref<320x128xf32, #tpu.memory_space<vmem>> -> memref<80x128xf32, #tpu.memory_space<vmem>>
      %dma_wait3A_254 = arith.constant 0 : i32
      %dma_wait3A_255 = tpu.memref_slice %arg5[%rem3A_119, %dma_wait3A_250, %dma_wait3A_254] : memref<2x4x80xi32, #tpu.memory_space<vmem>> -> memref<1x1x80xi32, #tpu.memory_space<vmem>>
      %dma_wait3A_256 = tpu.memref_squeeze %dma_wait3A_255 : memref<1x1x80xi32, #tpu.memory_space<vmem>> -> memref<80xi32, #tpu.memory_space<vmem>>
      %dma_wait3A_257 = arith.constant 0 : i32
      %dma_wait3A_258 = arith.constant 0 : i32
      %dma_wait3A_259 = tpu.memref_slice %arg4[%dma_wait3A_257, %dma_wait3A_258] : memref<1000000x128xf32, #tpu.memory_space<hbm>> -> memref<1000000x128xf32, #tpu.memory_space<hbm>>
      tpu.wait_indirect_dma semaphore(%arg9 : memref<!tpu.dma_semaphore, #tpu.memory_space<semaphore_mem>>) src(%dma_wait3A_253 : memref<80x128xf32, #tpu.memory_space<vmem>>) dst(%dma_wait3A_259 : memref<1000000x128xf32, #tpu.memory_space<hbm>>)
      %dma_wait3A_260 = arith.constant 1 : i32
      %dma_wait3A_261 = arith.constant 80 : i32
      %dma_wait3A_262 = arith.constant 0 : i32
      %dma_wait3A_263 = tpu.memref_slice %arg7[%dma_wait3A_261, %dma_wait3A_262] : memref<320x128xf32, #tpu.memory_space<vmem>> -> memref<80x128xf32, #tpu.memory_space<vmem>>
      %dma_wait3A_264 = arith.constant 0 : i32
      %dma_wait3A_265 = tpu.memref_slice %arg5[%rem3A_119, %dma_wait3A_260, %dma_wait3A_264] : memref<2x4x80xi32, #tpu.memory_space<vmem>> -> memref<1x1x80xi32, #tpu.memory_space<vmem>>
      %dma_wait3A_266 = tpu.memref_squeeze %dma_wait3A_265 : memref<1x1x80xi32, #tpu.memory_space<vmem>> -> memref<80xi32, #tpu.memory_space<vmem>>
      %dma_wait3A_267 = arith.constant 0 : i32
      %dma_wait3A_268 = arith.constant 0 : i32
      %dma_wait3A_269 = tpu.memref_slice %arg4[%dma_wait3A_267, %dma_wait3A_268] : memref<1000000x128xf32, #tpu.memory_space<hbm>> -> memref<1000000x128xf32, #tpu.memory_space<hbm>>
      tpu.wait_indirect_dma semaphore(%arg9 : memref<!tpu.dma_semaphore, #tpu.memory_space<semaphore_mem>>) src(%dma_wait3A_263 : memref<80x128xf32, #tpu.memory_space<vmem>>) dst(%dma_wait3A_269 : memref<1000000x128xf32, #tpu.memory_space<hbm>>)
      %dma_wait3A_270 = arith.constant 2 : i32
      %dma_wait3A_271 = arith.constant 160 : i32
      %dma_wait3A_272 = arith.constant 0 : i32
      %dma_wait3A_273 = tpu.memref_slice %arg7[%dma_wait3A_271, %dma_wait3A_272] : memref<320x128xf32, #tpu.memory_space<vmem>> -> memref<80x128xf32, #tpu.memory_space<vmem>>
      %dma_wait3A_274 = arith.constant 0 : i32
      %dma_wait3A_275 = tpu.memref_slice %arg5[%rem3A_119, %dma_wait3A_270, %dma_wait3A_274] : memref<2x4x80xi32, #tpu.memory_space<vmem>> -> memref<1x1x80xi32, #tpu.memory_space<vmem>>
      %dma_wait3A_276 = tpu.memref_squeeze %dma_wait3A_275 : memref<1x1x80xi32, #tpu.memory_space<vmem>> -> memref<80xi32, #tpu.memory_space<vmem>>
      %dma_wait3A_277 = arith.constant 0 : i32
      %dma_wait3A_278 = arith.constant 0 : i32
      %dma_wait3A_279 = tpu.memref_slice %arg4[%dma_wait3A_277, %dma_wait3A_278] : memref<1000000x128xf32, #tpu.memory_space<hbm>> -> memref<1000000x128xf32, #tpu.memory_space<hbm>>
      tpu.wait_indirect_dma semaphore(%arg9 : memref<!tpu.dma_semaphore, #tpu.memory_space<semaphore_mem>>) src(%dma_wait3A_273 : memref<80x128xf32, #tpu.memory_space<vmem>>) dst(%dma_wait3A_279 : memref<1000000x128xf32, #tpu.memory_space<hbm>>)
      %dma_wait3A_280 = arith.constant 3 : i32
      %dma_wait3A_281 = arith.constant 240 : i32
      %dma_wait3A_282 = arith.constant 0 : i32
      %dma_wait3A_283 = tpu.memref_slice %arg7[%dma_wait3A_281, %dma_wait3A_282] : memref<320x128xf32, #tpu.memory_space<vmem>> -> memref<80x128xf32, #tpu.memory_space<vmem>>
      %dma_wait3A_284 = arith.constant 0 : i32
      %dma_wait3A_285 = tpu.memref_slice %arg5[%rem3A_119, %dma_wait3A_280, %dma_wait3A_284] : memref<2x4x80xi32, #tpu.memory_space<vmem>> -> memref<1x1x80xi32, #tpu.memory_space<vmem>>
      %dma_wait3A_286 = tpu.memref_squeeze %dma_wait3A_285 : memref<1x1x80xi32, #tpu.memory_space<vmem>> -> memref<80xi32, #tpu.memory_space<vmem>>
      %dma_wait3A_287 = arith.constant 0 : i32
      %dma_wait3A_288 = arith.constant 0 : i32
      %dma_wait3A_289 = tpu.memref_slice %arg4[%dma_wait3A_287, %dma_wait3A_288] : memref<1000000x128xf32, #tpu.memory_space<hbm>> -> memref<1000000x128xf32, #tpu.memory_space<hbm>>
      tpu.wait_indirect_dma semaphore(%arg9 : memref<!tpu.dma_semaphore, #tpu.memory_space<semaphore_mem>>) src(%dma_wait3A_283 : memref<80x128xf32, #tpu.memory_space<vmem>>) dst(%dma_wait3A_289 : memref<1000000x128xf32, #tpu.memory_space<hbm>>)
    }
    return
  }
}

</mosaic_0001>

<sc_bundles>
// kernel: _run.3.cloned.1.call-start
scs
__scs_entry_jumppad:
0x0: {  	(pc) =	sbr.rel $0x88, $3  }
0x1: {  	(tag) =	ssettag $0x0;
	lr =	simm.s32 $0x1  }
0x2: {  	[smem:$0x3F9F] =	sst lr;
	_ =	strace $0xD0000000  }
0x3: {  	_ = 	snop  }
0x4: {  	_ = 	snop  }
0x5: {  	_ = 	snop  }
0x6: {  	_ = 	snop  }
0x7: {  	_ = 	snop  }
__scs_overlays_trampoline_lowered:
0x8: {  	[smem:$0x3FAE] =	sst s0  }
0x9: {  	[smem:$0x3FAF] =	sst s1  }
0xa: {  	[smem:$0x3FB0] =	sst s2  }
0xb: {  	[smem:$0x3FB1] =	sst s3  }
0xc: {  	[smem:$0x3FB2] =	sst s4  }
0xd: {  	[smem:$0x3FB3] =	sst s5  }
0xe: {  	[smem:$0x3FB4] =	sst s6  }
0xf: {  	[smem:$0x3FB5] =	sst s7  }
0x10: {  	[smem:$0x3FB6] =	sst s8  }
0x11: {  	[smem:$0x3FB7] =	sst s9;
	s0 =	simm.s32 @!p0 $0x0  }
0x12: {  	s1 =	sld [smem:$0x3F9D];
	s0 =	simm.s32 @p0 $0x1  }
0x13: {  	[smem:$0x3FB8] =	sst s0;
	s0 =	simm.s32 @!p1 $0x0  }
0x14: {  	s2 =	sld [smem:$0x3F9C];
	s0 =	simm.s32 @p1 $0x1  }
0x15: {  	[smem:$0x3FB9] =	sst s0;
	s0 =	simm.s32 @!p2 $0x0  }
0x16: {  	s3 =	sld [smem:$0x3FDB];
	s0 =	simm.s32 @p2 $0x1  }
0x17: {  	s4 =	simm.s32 $0x1BF5;
	[smem:$0x3FBB] =	sst s0  }
0x18: {  	s0 =	sld [smem:$0x3F9E];
	_ =	swait.ge [sflag:s4], $0x0  }
0x19: {  	s7 =	sld [smem:$0x3F9F]  }
0x1a: {  	s8 =	sadd.s32 $0xFFFFE003, lr  }
0x1b: {  	s9 =	sadd.s32 $0xFFFFFEF7, lr;
	s5 =	simm.s32 $0xFFFFFFFF;
	p2 =	slt.u32 s8, $0xFFFFF086  }
0x1c: {  	p1 =	slt.u32 s9, $0xF7A;
	s5 =	simm.s32 @!p2 $0x0  }
0x1d: {  	s5 =	simm.s32 @p1 $0x1;
	p0 =	seq.s32 s7, s2  }
0x1e: {  	s7 =	smul.u32 @!p0 $0xF7A, s2;
	p2 =	seq.s32 @!p0 s5, $0x0  }
0x1f: {  	s9 =	smul.u32 $0xF7A, s1;
	s8 =	simm.s32 @!p0 $0x1BF5;
	p2 =	por !p2, p0  }
0x20: {  	[sflag:s8] =	ssyncset.s32 @!p0 $0xFFFFF086;
	s6 =	sadd.s32 @!p0 s3, s7;
	s7 =	simm.s32 @!p0 $0x108  }
0x21: {  	s3 =	sadd.s32 s3, s9;
	s6 =	sadd.s32 @!p0 $0x88, s6;
	s7 =	simm.s32 @p2 $0x1082  }
0x22: {  	[simem:s7], [sflag:s8] =	dma.local @!p0 [hbm:s6], $0xF7A  }
0x23: {  	s9 =	sor.u32 $0xD0000000, s2;
	s6 =	simm.s32 $0x108;
	_ =	swait.ge @!p0 [sflag:s8], $0x0  }
0x24: {  	s3 =	sadd.s32 $0x88, s3;
	s6 =	simm.s32 @!p1 $0x1082;
	[sflag:s4] =	ssyncset.s32 $0xFFFFF086  }
0x25: {  	[simem:s6], [sflag:s4] =	dma.local [hbm:s3], $0xF7A  }
0x26: {  	[smem:$0x3F9F] =	sst s1;
	(tag) =	ssettag s2;
	_ =	strace s9  }
0x27: {  	s1 =	sld [smem:$0x3FAF]  }
0x28: {  	s2 =	sld [smem:$0x3FB0]  }
0x29: {  	s4 =	sld [smem:$0x3FB2]  }
0x2a: {  	p0 =	seq.s32 s5, $0x0;
	s5 =	sld [smem:$0x3FB3]  }
0x2b: {  	s6 =	sld [smem:$0x3FB4]  }
0x2c: {  	s7 =	sld [smem:$0x3FB5]  }
0x2d: {  	s3 =	simm.s32 $0x108;
	s8 =	sld [smem:$0x3FB6]  }
0x2e: {  	s3 =	simm.s32 @!p0 $0x1082;
	s9 =	sld [smem:$0x3FB7]  }
0x2f: {  	lr =	sadd.s32 s0, s3;
	s0 =	sld [smem:$0x3FAE]  }
0x30: {  	s3 =	sld [smem:$0x3FB1]  }
0x31: {  	[smem:$0x3FBA] =	sst s10  }
0x32: {  	s10 =	sld [smem:$0x3FB8];
	_ =	sdelay $0x3  }
0x33: {  	p0 =	seq.s32 s10, $0x1;
	s10 =	sld [smem:$0x3FBA];
	_ =	sdelay $0x3  }
0x34: {  	[smem:$0x3FBA] =	sst s10  }
0x35: {  	s10 =	sld [smem:$0x3FB9];
	_ =	sdelay $0x3  }
0x36: {  	p1 =	seq.s32 s10, $0x1;
	s10 =	sld [smem:$0x3FBA];
	_ =	sdelay $0x3  }
0x37: {  	[smem:$0x3FBA] =	sst s10  }
0x38: {  	s10 =	sld [smem:$0x3FBB]  }
0x39: {  	_ = 	snop;
	(pc) =	sbr.ind lr, $3  }
0x3a: {  	_ = 	snop  }
0x3b: {  	_ = 	snop  }
0x3c: {  	p2 =	seq.s32 s10, $0x1;
	s10 =	sld [smem:$0x3FBA]  }
0x3d: {  	_ =	shalt  }
0x3e: {  	_ =	shalt  }
0x3f: {  	_ =	shalt  }
0x40: {  	_ =	shalt  }
0x41: {  	_ =	shalt  }
0x42: {  	_ =	shalt  }
0x43: {  	_ =	shalt  }
0x44: {  	_ =	shalt  }
0x45: {  	_ =	shalt  }
0x46: {  	_ =	shalt  }
0x47: {  	_ =	shalt  }
0x48: {  	_ =	shalt  }
0x49: {  	_ =	shalt  }
0x4a: {  	_ =	shalt  }
0x4b: {  	_ =	shalt  }
0x4c: {  	_ =	shalt  }
0x4d: {  	_ =	shalt  }
0x4e: {  	_ =	shalt  }
0x4f: {  	_ =	shalt  }
0x50: {  	_ =	shalt  }
0x51: {  	_ =	shalt  }
0x52: {  	_ =	shalt  }
0x53: {  	_ =	shalt  }
0x54: {  	_ =	shalt  }
0x55: {  	_ =	shalt  }
0x56: {  	_ =	shalt  }
0x57: {  	_ =	shalt  }
0x58: {  	_ =	shalt  }
0x59: {  	_ =	shalt  }
0x5a: {  	_ =	shalt  }
0x5b: {  	_ =	shalt  }
0x5c: {  	_ =	shalt  }
0x5d: {  	_ =	shalt  }
0x5e: {  	_ =	shalt  }
0x5f: {  	_ =	shalt  }
0x60: {  	_ =	shalt  }
0x61: {  	_ =	shalt  }
0x62: {  	_ =	shalt  }
0x63: {  	_ =	shalt  }
0x64: {  	_ =	shalt  }
0x65: {  	_ =	shalt  }
0x66: {  	_ =	shalt  }
0x67: {  	_ =	shalt  }
0x68: {  	_ =	shalt  }
0x69: {  	_ =	shalt  }
0x6a: {  	_ =	shalt  }
0x6b: {  	_ =	shalt  }
0x6c: {  	_ =	shalt  }
0x6d: {  	_ =	shalt  }
0x6e: {  	_ =	shalt  }
0x6f: {  	_ =	shalt  }
0x70: {  	_ =	shalt  }
0x71: {  	_ =	shalt  }
0x72: {  	_ =	shalt  }
0x73: {  	_ =	shalt  }
0x74: {  	_ =	shalt  }
0x75: {  	_ =	shalt  }
0x76: {  	_ =	shalt  }
0x77: {  	_ =	shalt  }
0x78: {  	_ =	shalt  }
0x79: {  	_ =	shalt  }
0x7a: {  	_ =	shalt  }
0x7b: {  	_ =	shalt  }
0x7c: {  	_ =	shalt  }
0x7d: {  	_ =	shalt  }
0x7e: {  	_ =	shalt  }
0x7f: {  	_ =	shalt  }
0x80: {  	_ =	shalt  }
0x81: {  	_ =	shalt  }
0x82: {  	_ =	shalt  }
0x83: {  	_ =	shalt  }
0x84: {  	_ =	shalt  }
0x85: {  	_ =	shalt  }
0x86: {  	_ =	shalt  }
0x87: {  	_ =	shalt  }
.Lfunc_end0:
.L_simem_size_0:
called_computation.1_lowered:
.L_overlay_start_0:
0x88: {  	s2 =	sld [smem:$0x3FD9]  }
0x89: {  	s3 =	sld [smem:$0x3FFE];
	_ =	sdelay $0x1  }
0x8a: {  	s1 =	srdreg.scid  }
0x8b: {  	s0 =	sand.u32 $0x1, s1  }
0x8c: {  	s17 =	sshll.u32 s0, $0xA;
	s2 =	sadd.s32 s3, s2  }
0x8d: {  	s2 =	sadd.s32 s2, s17  }
0x8e: {  	[smem:$0x3FC6] =	sst s2  }
0x8f: {  	_ = 	snop  }
0x90: {  	s2 =	sld [smem:$0x3FC8];
	(tm) =	ssettm $0x1  }
0x91: {  	s18 =	sld [smem:$0x3FFB];
	_ =	sdelay $0x3  }
0x92: {  	_ =	strace s18  }
0x93: {  	s3 =	sld [smem:$0x3FFC];
	_ =	sdelay $0x3  }
0x94: {  	_ =	strace s3  }
0x95: {  	s3 =	sld [smem:$0x3FFD];
	_ =	sdelay $0x3  }
0x96: {  	_ =	strace s3  }
0x97: {  	_ =	strace $0x8FFFFFFF  }
0x98: {  	s19 =	sld [smem:$0x3FDB];
	_ =	sdelay $0x1  }
0x99: {  	s4 =	simm.s32 $_scs_section_size  }
0x9a: {  	s5 =	simm.s32 $_size__tile_overlayer_lowered;
	s6 =	simm.s32 $_tile_overlayer_lowered  }
0x9b: {  	s22 =	simm.s32 $0x1BFF;
	s21 =	sshll.u32 s6, $0x1;
	s3 =	sadd.s32 s4, s19  }
0x9c: {  	s7 =	simm.s32 $0x0;
	s20 =	sshll.u32 s5, $0x1;
	s5 =	sadd.s32 s21, s3  }
0x9d: {  	[timem:s7], [sflag:s22] =	dma.local [hbm:s5], s20  }
0x9e: {  	_ =	swait.ge [sflag:s22], s20  }
0x9f: {  	s4 =	ssub.s32 $0x0, s20;
	[sflag:s22] =	ssyncset.done $0x0  }
0xa0: {  	[sflag:s22] =	ssyncadd.s32 s4;
	_ =	sdelay $0x1  }
0xa1: {  	s23 =	simm.s32 $0x1B8B  }
0xa2: {  	_ =	swait.ge [sflag:s23], $0x1  }
0xa3: {  	[sflag:s23] =	ssyncset.done $0x0  }
0xa4: {  	s25 =	simm.s32 $0x1B8E;
	s24 =	sld [smem:$0x3FFE];
	[sflag:s23] =	ssyncadd.s32 $0xFFFFFFFF  }
0xa5: {  	s26 =	simm.s32 $execute0_lowered;
	[smem:$0x3FD2] =	sst s25  }
0xa6: {  	s5 =	sshll.u32 s26, $0x1;
	_ =	strace $0x80000046;
	[dreg:$0x1] =	wrdreg $0xFFFFFFFF  }
0xa7: {  	s28 =	simm.s32 $_size_execute0_lowered;
	s3 =	sadd.s32 s3, s5;
	[dreg:$0x0] =	wrdreg $0x0  }
0xa8: {  	s5 =	sshll.u32 s28, $0x1;
	[dreg:$0x2] =	wrdreg s3  }
0xa9: {  	[dreg:$0x3] =	wrdreg s5  }
0xaa: {  	[dreg:$0x4] =	wrdreg $0xC0  }
0xab: {  	_ =	task [dreg:s7], $0x5FFFF  }
0xac: {  	[dreg:$0x1] =	wrdreg $0xFFFFFFFF  }
0xad: {  	[dreg:$0x0] =	wrdreg $0x60  }
0xae: {  	[dreg:$0x2] =	wrdreg s24  }
0xaf: {  	[dreg:$0x3] =	wrdreg s2  }
0xb0: {  	[dreg:$0x4] =	wrdreg $0x9  }
0xb1: {  	_ =	task.clear_ibuf [dreg:s7], $0x5FFFF;
	_ =	strace $0x90000046  }
0xb2: {  	s29 =	simm.s32 $0x9;
	_ =	strace $0x80000048  }
0xb3: {  	_ =	swait.ge [sflag:s29], $0x1  }
0xb4: {  	[sflag:s29] =	ssyncadd.s32 $0xFFFFFFFF  }
0xb5: {  	_ =	strace $0x90000048  }
0xb6: {  	_ =	sfence  }
0xb7: {  	s30 =	sld [smem:$0x0];
	_ =	sdelay $0x2  }
0xb8: {  	s31 =	sshll.u32 s1, $0xD;
	s1 =	sshrl.u32 s1, $0x2  }
0xb9: {  	s3 =	sand.u32 $0x4000, s31;
	s1 =	sadd.s32 s1, s30  }
0xba: {  	s0 =	sor.u32 s3, s0;
	s1 =	sshll.u32 s1, $0x11  }
0xbb: {  	s0 =	sor.u32 s1, s0  }
0xbc: {  	s0 =	sadd.s32 $0x8F2B, s0  }
0xbd: {  	[sflag:s0] =	ssyncadd.remote.s32 $0x1  }
0xbe: {  	_ =	sfence.sel $0xFFFF  }
0xbf: {  	[dreg:$0x0] =	wrdreg $0xFFFFFFFF;
	(pc) =	sbr.abs _section_cstart, $3  }
0xc0: {  	[dreg:$0x1] =	wrdreg $0xFFFFFFFF  }
0xc1: {  	_ =	task.clear_ibuf [dreg:s7], $0x2FFFF;
	_ =	strace $0x9FFFFFFF  }
0xc2: {  	(tm) =	ssettm $0x7FFFFFFF  }
0xc3: {  	_ =	shalt  }
tec
execute0_lowered:
.L_overlay_start_1:
0x0: {  	(tag) =	ssettag $0x1  }
0x1: {  	s6 =	rddreg [dreg:$0x0]  }
0x2: {  	s2 =	rddreg [dreg:$0x1];
	s3 =	simm.s32 $0x0;
	s4 =	srdreg.scid  }
0x3: {  	s0 =	stileid.u32;
	s14 =	simm.s32 $0x400;
	s15 =	simm.s32 $0x80  }
0x4: {  	s16 =	simm.s32 $0x100;
	s17 =	simm.s32 $0x180;
	s18 =	simm.s32 $0x50  }
0x5: {  	s19 =	simm.s32 $0x14400;
	s20 =	simm.s32 $0x16C00;
	s21 =	simm.s32 $0x19400  }
0x6: {  	s22 =	simm.s32 $0x1BC00;
	s23 =	simm.s32 $0x3;
	s24 =	simm.s32 $0x0  }
0x7: {  	[smem:$0x7FF] =	sst s3;
	s7 =	sand.u32 $0x1, s4;
	s29 =	sshll.u32 s0, $0x1  }
0x8: {  	s5 =	sadd.s32 $0x800, s6;
	s6 =	sadd.s32 $0xF42C00, s6;
	s4 =	sor.u32 s7, s29  }
0x9: {  	_ =	strace $0x80000047;
	s7 =	ssub.s32 $0x2, s7;
	s8 =	smul.u32 $0x140, s4  }
0xa: {  	s9 =	sshrl.u32 s7, $0x1;
	s10 =	smul.u32 $0x1400, s4;
	s30 =	ssub.s32 $0xC34, s4  }
0xb: {  	s13 =	ssub.s32 s7, s9;
	s7 =	sshrl.u32 s30, $0x5;
	s31 =	sshrl.u32 s8, $0x3  }
0xc: {  	s8 =	sadd.s32 s5, s10;
	s13 =	smax.u32 s13, $0x1;
	s9 =	sadd.s32 s2, s31  }
0xd: {  	s10 =	sadd.s32 $0xA, s9;
	s11 =	sadd.s32 $0x14, s9;
	s12 =	sadd.s32 $0x1E, s9  }
.LBB2_1:
0xe: {  	[tilespmem:s14], [sflag:$0x1] =	stream.linear.gather [hbm4b:s8+s3], $0xA000, $0x38;
	[tilespmem:$0x1E400] =	vst v63  }
0xf: {  	_ = 	snop  }
0x10: {  	[tilespmem:s3], [sflag:$0x1] =	stream.linear.gather [hbm4b:s9+s3], $0x50, $0x38;
	[tilespmem:$0x1E400] =	vst v63  }
0x11: {  	_ = 	snop  }
0x12: {  	[tilespmem:s15], [sflag:$0x1] =	stream.linear.gather [hbm4b:s10+s3], $0x50, $0x38;
	[tilespmem:$0x1E400] =	vst v63  }
0x13: {  	_ = 	snop  }
0x14: {  	[tilespmem:s16], [sflag:$0x1] =	stream.linear.gather [hbm4b:s11+s3], $0x50, $0x38;
	[tilespmem:$0x1E400] =	vst v63  }
0x15: {  	p0 =	por $0x0, $0x0;
	s25 =	simm.s32 $0x0  }
0x16: {  	[tilespmem:s17], [sflag:$0x1] =	stream.linear.gather [hbm4b:s12+s3], $0x50, $0x38;
	[tilespmem:$0x1E400] =	vst v63  }
.LBB2_2:
0x17: {  	s26 =	sadd.s32 $0x1, s25;
	p1 =	sge.u32 s25, s7  }
0x18: {  	s28 =	sshll.u32 @!p1 s26, $0x5;
	s29 =	sand.u32 @!p1 $0x1, s26  }
0x19: {  	s28 =	sor.u32 @!p1 s4, s28;
	s31 =	smul.u32 @!p1 $0x28000, s29  }
0x1a: {  	s30 =	smul.u32 @!p1 $0xA000, s28  }
0x1b: {  	s1 =	simm.s32 @!p1 $0x0  }
0x1c: {  	s0 =	sadd.s32 @!p1 $0x1, s29;
	s31 =	sshrl.u32 @!p1 s31, $0x2;
	s30 =	sshrl.u32 @!p1 s30, $0x3  }
0x1d: {  	s28 =	smul.u32 @!p1 $0x140, s28;
	s31 =	sor.u32 @!p1 $0x400, s31;
	s30 =	sadd.s32 @!p1 s5, s30  }
0x1e: {  	[tilespmem:s31], [sflag:s0] =	stream.linear.gather @!p1 [hbm4b:s30+s1], $0xA000, $0x38;
	[tilespmem:$0x1E400] =	vst v63  }
0x1f: {  	s30 =	sshrl.u32 @!p1 s28, $0x3  }
0x20: {  	s29 =	sshll.u32 @!p1 s29, $0x9;
	s30 =	sadd.s32 @!p1 s2, s30  }
0x21: {  	[tilespmem:s29], [sflag:s0] =	stream.linear.gather @!p1 [hbm4b:s30+s1], $0x50, $0x38;
	[tilespmem:$0x1E400] =	vst v63  }
0x22: {  	s30 =	sadd.s32 @!p1 $0x50, s28  }
0x23: {  	s30 =	sshrl.u32 @!p1 s30, $0x3  }
0x24: {  	s31 =	sor.u32 @!p1 $0x80, s29;
	s30 =	sadd.s32 @!p1 s2, s30  }
0x25: {  	[tilespmem:s31], [sflag:s0] =	stream.linear.gather @!p1 [hbm4b:s30+s1], $0x50, $0x38;
	[tilespmem:$0x1E400] =	vst v63  }
0x26: {  	s30 =	sadd.s32 @!p1 $0xA0, s28  }
0x27: {  	s30 =	sshrl.u32 @!p1 s30, $0x3  }
0x28: {  	s31 =	sor.u32 @!p1 $0x100, s29;
	s28 =	sadd.s32 @!p1 $0xF0, s28;
	s30 =	sadd.s32 @!p1 s2, s30  }
0x29: {  	[tilespmem:s31], [sflag:s0] =	stream.linear.gather @!p1 [hbm4b:s30+s1], $0x50, $0x38;
	[tilespmem:$0x1E400] =	vst v63  }
0x2a: {  	s30 =	sshrl.u32 @!p1 s28, $0x3;
	s28 =	sand.u32 $0x1, s25  }
0x2b: {  	s29 =	sor.u32 @!p1 $0x180, s29;
	s30 =	sadd.s32 @!p1 s2, s30;
	s31 =	sadd.s32 $0x1, s28  }
0x2c: {  	[tilespmem:s29], [sflag:s0] =	stream.linear.gather @!p1 [hbm4b:s30+s1], $0x50, $0x38;
	[tilespmem:$0x1E400] =	vst v63  }
0x2d: {  	_ =	swait.ge [sflag:s31], $0xA000  }
0x2e: {  	[sflag:s31] =	ssyncset.done $0x0  }
0x2f: {  	[sflag:s31] =	ssyncadd.s32 $0xFFFF6000  }
0x30: {  	_ =	swait.ge [sflag:s31], $0x50  }
0x31: {  	s1 =	simm.s32 $0x1;
	[sflag:s31] =	ssyncset.done $0x0  }
0x32: {  	s1 =	simm.s32 @!p0 $0x0;
	[sflag:s31] =	ssyncadd.s32 $0xFFFFFFB0  }
0x33: {  	s1 =	smul.u32 $0x28000, s1;
	_ =	swait.ge [sflag:s31], $0x50  }
0x34: {  	[sflag:s31] =	ssyncset.done $0x0  }
0x35: {  	s1 =	sshrl.u32 s1, $0x2;
	[sflag:s31] =	ssyncadd.s32 $0xFFFFFFB0  }
0x36: {  	s1 =	sor.u32 $0x500, s1;
	_ =	swait.ge [sflag:s31], $0x50  }
0x37: {  	v0 =	vmov s1;
	[sflag:s31] =	ssyncset.done $0x0  }
0x38: {  	[sflag:s31] =	ssyncadd.s32 $0xFFFFFFB0  }
0x39: {  	_ =	swait.ge [sflag:s31], $0x50  }
0x3a: {  	[sflag:s31] =	ssyncset.done $0x0  }
0x3b: {  	s29 =	simm.s32 $0x0;
	s30 =	simm.s32 $0x800;
	[sflag:s31] =	ssyncadd.s32 $0xFFFFFFB0  }
.LBB2_3:
0x3c: {  	p1 =	sne.s32 s30, $0x27800;
	v1 =	vld.idx.msk [tilespmem:v0+s29+$0xFFFFFF00 ss:$0x1], $0xffff;
	_ =	sdelay $0x5  }
0x3d: {  	[tilespmem:s29+$0x14400] =	vst v1  }
0x3e: {  	v1 =	vld.idx.msk [tilespmem:v0+s29+$0xFFFFFF10 ss:$0x1], $0xffff;
	_ =	sdelay $0x5  }
0x3f: {  	[tilespmem:s29+$0x14410] =	vst v1  }
0x40: {  	v1 =	vld.idx.msk [tilespmem:v0+s29+$0xFFFFFF80 ss:$0x1], $0xffff;
	_ =	sdelay $0x5  }
0x41: {  	[tilespmem:s29+$0x14480] =	vst v1  }
0x42: {  	v1 =	vld.idx.msk [tilespmem:v0+s29+$0xFFFFFF90 ss:$0x1], $0xffff;
	_ =	sdelay $0x5  }
0x43: {  	[tilespmem:s29+$0x14490] =	vst v1  }
0x44: {  	v1 =	vld.idx.msk [tilespmem:v0+s29+$0x0 ss:$0x1], $0xffff;
	_ =	sdelay $0x5  }
0x45: {  	[tilespmem:s29+$0x14500] =	vst v1  }
0x46: {  	v1 =	vld.idx.msk [tilespmem:v0+s29+$0x10 ss:$0x1], $0xffff;
	_ =	sdelay $0x5  }
0x47: {  	[tilespmem:s29+$0x14510] =	vst v1  }
0x48: {  	v1 =	vld.idx.msk [tilespmem:v0+s29+$0x80 ss:$0x1], $0xffff;
	_ =	sdelay $0x5  }
0x49: {  	[tilespmem:s29+$0x14580] =	vst v1  }
0x4a: {  	v1 =	vld.idx.msk [tilespmem:v0+s29+$0x90 ss:$0x1], $0xffff;
	_ =	sdelay $0x1  }
.Ltmp0:
0x4b: {  	(pc) =	sbr.rel @p1 .LBB2_3-.Ltmp0, $2  }
0x4c: {  	_ =	sdelay $0x2  }
0x4d: {  	[tilespmem:s29+$0x14590] =	vst v1;
	s29 =	sshra.s32 s30, $0x2;
	s30 =	sadd.s32 $0x800, s30  }
0x4e: {  	_ =	sdelay $0x3  }
0x4f: {  	v1 =	vld.idx.msk [tilespmem:v0+s29+$0xFFFFFF00 ss:$0x1], $0xffff;
	_ =	sdelay $0x4  }
0x50: {  	[tilespmem:s29+$0x14400] =	vst v1  }
0x51: {  	v1 =	vld.idx.msk [tilespmem:v0+s29+$0xFFFFFF10 ss:$0x1], $0xffff;
	_ =	sdelay $0x4  }
0x52: {  	[tilespmem:s29+$0x14410] =	vst v1  }
0x53: {  	v1 =	vld.idx.msk [tilespmem:v0+s29+$0xFFFFFF80 ss:$0x1], $0xffff;
	_ =	sdelay $0x4  }
0x54: {  	[tilespmem:s29+$0x14480] =	vst v1  }
0x55: {  	v1 =	vld.idx.msk [tilespmem:v0+s29+$0xFFFFFF90 ss:$0x1], $0xffff;
	_ =	sdelay $0x4  }
0x56: {  	[tilespmem:s29+$0x14490] =	vst v1  }
0x57: {  	v1 =	vld.idx.msk [tilespmem:v0+s29+$0x0 ss:$0x1], $0xffff;
	_ =	sdelay $0x4  }
0x58: {  	[tilespmem:s29+$0x14500] =	vst v1  }
0x59: {  	v1 =	vld.idx.msk [tilespmem:v0+s29+$0x10 ss:$0x1], $0xffff;
	_ =	sdelay $0x4  }
0x5a: {  	[tilespmem:s29+$0x14510] =	vst v1  }
0x5b: {  	v1 =	vld.idx.msk [tilespmem:v0+s29+$0x80 ss:$0x1], $0xffff;
	_ =	sdelay $0x4  }
0x5c: {  	[tilespmem:s29+$0x14580] =	vst v1  }
0x5d: {  	v63 =	vld.idx.msk [tilespmem:v0+s29+$0x90 ss:$0x1], $0xffff;
	_ =	sdelay $0x4  }
0x5e: {  	s0 =	sshll.u32 s28, $0x9;
	[tilespmem:s29+$0x14590] =	vst v63  }
0x5f: {  	[hbm4b:s6+s18] =	stream.indirect.scatter [tilespmem:s19], [sflag:$0x3], $0x80, s0, s18, $0xb8;
	[tilespmem:$0x1E400] =	vst v63  }
0x60: {  	s1 =	sor.u32 $0x80, s0  }
0x61: {  	[hbm4b:s6+s18] =	stream.indirect.scatter [tilespmem:s20], [sflag:$0x3], $0x80, s1, s18, $0xb8;
	[tilespmem:$0x1E400] =	vst v63  }
0x62: {  	s31 =	sor.u32 $0x100, s0  }
0x63: {  	[hbm4b:s6+s18] =	stream.indirect.scatter [tilespmem:s21], [sflag:$0x3], $0x80, s31, s18, $0xb8;
	[tilespmem:$0x1E400] =	vst v63  }
0x64: {  	s0 =	sor.u32 $0x180, s0  }
0x65: {  	[hbm4b:s6+s18] =	stream.indirect.scatter [tilespmem:s22], [sflag:$0x3], $0x80, s0, s18, $0xb8;
	[tilespmem:$0x1E400] =	vst v63  }
0x66: {  	_ =	swait.ge [sflag:s23], $0x2800  }
0x67: {  	[sflag:s23] =	ssyncset.done $0x0  }
0x68: {  	[sflag:s23] =	ssyncadd.s32 $0xFFFFD800  }
0x69: {  	_ =	swait.ge [sflag:s23], $0x2800  }
0x6a: {  	[sflag:s23] =	ssyncset.done $0x0  }
0x6b: {  	[sflag:s23] =	ssyncadd.s32 $0xFFFFD800  }
0x6c: {  	p1 =	sne.s32 s25, s7;
	_ =	swait.ge [sflag:s23], $0x2800  }
.Ltmp1:
0x6d: {  	[sflag:s23] =	ssyncset.done $0x0;
	(pc) =	sbr.rel @p1 .LBB2_2-.Ltmp1, $4  }
0x6e: {  	[sflag:s23] =	ssyncadd.s32 $0xFFFFD800  }
0x6f: {  	_ =	swait.ge [sflag:s23], $0x2800  }
0x70: {  	[sflag:s23] =	ssyncset.done $0x0  }
0x71: {  	p0 =	por !p0, !p0;
	s25 =	smov.u32 s26;
	[sflag:s23] =	ssyncadd.s32 $0xFFFFD800  }
0x72: {  	s24 =	sadd.s32 $0x1, s24  }
0x73: {  	p0 =	sne.s32 s24, s13  }
.Ltmp2:
0x74: {  	_ = 	snop;
	(pc) =	sbr.rel @p0 .LBB2_1-.Ltmp2, $1  }
0x75: {  	_ =	sdelay $0x3  }
0x76: {  	_ =	sfence.sel $0x180000  }
0x77: {  	[bflag:$0x0] =	sbarrier.arrive $0xFFFF  }
0x78: {  	_ =	strace $0x90000047  }
0x79: {  	s0 =	stileid.u32;
	[bflag:$0x2] =	sbarrier.arrive $0xFFFF  }
0x7a: {  	p0 =	sne.s32 s0, $0x0;
	s0 =	rddreg [dreg:$0x2]  }
0x7b: {  	s0 =	sadd.s32 @!p0 $0x100000, s0  }
0x7c: {  	[sflag:s0] =	ssyncadd.tile.s32 @!p0 $0x1;
	_ =	shalt  }
.Lfunc_end2:
_tile_overlayer_lowered:
.L_overlay_start_2:
0x7d: {  	(tag) =	ssettag $0x2  }
0x7e: {  	s0 =	rddreg [dreg:$0x0];
	s2 =	stileid.u32  }
0x7f: {  	s1 =	rddreg [dreg:$0x1];
	p0 =	sne.s32 s2, $0x0  }
0x80: {  	s3 =	rddreg [dreg:$0x2];
	[bflag:$0x3] =	sbarrier.arrive $0xFFFF;
	s2 =	simm.s32 @!p0 $0x1C04  }
0x81: {  	[timem:s3], [sflag:s2] =	dma.local @!p0 [hbm:s0], s1  }
0x82: {  	s0 =	simm.s32 @!p0 $0x4  }
0x83: {  	_ =	swait.ge @!p0 [sflag:s0], s1  }
0x84: {  	s1 =	ssub.s32 @!p0 $0x0, s1;
	[sflag:s0] =	ssyncset.done @!p0 $0x0  }
0x85: {  	[sflag:s0] =	ssyncadd.s32 @!p0 s1  }
0x86: {  	[bflag:$0x3] =	sbarrier.arrive $0xFFFF  }
0x87: {  	_ =	shalt  }

// kernel: sparse-core-data-format-call.cloned.1.call-start
scs
called_computation_lowered:
.L_overlay_start_0:
0x0: {  	s2 =	sld [smem:$0x3FD9]  }
0x1: {  	s3 =	sld [smem:$0x3FFE];
	_ =	sdelay $0x1  }
0x2: {  	s1 =	srdreg.scid  }
0x3: {  	s0 =	sand.u32 $0x1, s1  }
0x4: {  	s18 =	sshll.u32 s0, $0xA;
	s2 =	sadd.s32 s3, s2  }
0x5: {  	s2 =	sadd.s32 s2, s18  }
0x6: {  	[smem:$0x3FC6] =	sst s2  }
0x7: {  	_ = 	snop  }
0x8: {  	s2 =	sld [smem:$0x3FD0];
	(tm) =	ssettm $0x1  }
0x9: {  	s19 =	sld [smem:$0x3FFB];
	_ =	sdelay $0x3  }
0xa: {  	_ =	strace s19  }
0xb: {  	s3 =	sld [smem:$0x3FFC];
	_ =	sdelay $0x3  }
0xc: {  	_ =	strace s3  }
0xd: {  	s3 =	sld [smem:$0x3FFD];
	_ =	sdelay $0x3  }
0xe: {  	_ =	strace s3  }
0xf: {  	_ =	strace $0x8FFFFFFF  }
0x10: {  	s20 =	sld [smem:$0x3FDB];
	_ =	sdelay $0x1  }
0x11: {  	s4 =	simm.s32 $_scs_section_size  }
0x12: {  	s5 =	simm.s32 $_size__tile_overlayer_lowered;
	s6 =	simm.s32 $_tile_overlayer_lowered  }
0x13: {  	s23 =	simm.s32 $0x1BFF;
	s22 =	sshll.u32 s6, $0x1;
	s3 =	sadd.s32 s4, s20  }
0x14: {  	s7 =	simm.s32 $0x0;
	s21 =	sshll.u32 s5, $0x1;
	s5 =	sadd.s32 s22, s3  }
0x15: {  	[timem:s7], [sflag:s23] =	dma.local [hbm:s5], s21  }
0x16: {  	_ =	swait.ge [sflag:s23], s21  }
0x17: {  	s4 =	ssub.s32 $0x0, s21;
	[sflag:s23] =	ssyncset.done $0x0  }
0x18: {  	[sflag:s23] =	ssyncadd.s32 s4;
	_ =	sdelay $0x1  }
0x19: {  	s24 =	simm.s32 $0x1B8B  }
0x1a: {  	_ =	swait.ge [sflag:s24], $0x1  }
0x1b: {  	[sflag:s24] =	ssyncset.done $0x0  }
0x1c: {  	s26 =	simm.s32 $0x1B8E;
	s25 =	sld [smem:$0x3FFE];
	[sflag:s24] =	ssyncadd.s32 $0xFFFFFFFF  }
0x1d: {  	s27 =	simm.s32 $execute0_lowered;
	[smem:$0x3FD2] =	sst s26  }
0x1e: {  	s5 =	sshll.u32 s27, $0x1;
	_ =	strace $0x80000049;
	[dreg:$0x1] =	wrdreg $0xFFFFFFFF  }
0x1f: {  	s28 =	simm.s32 $_size_execute0_lowered;
	s3 =	sadd.s32 s3, s5;
	[dreg:$0x0] =	wrdreg $0x0  }
0x20: {  	s5 =	sshll.u32 s28, $0x1;
	[dreg:$0x2] =	wrdreg s3  }
0x21: {  	[dreg:$0x3] =	wrdreg s5  }
0x22: {  	[dreg:$0x4] =	wrdreg $0xC0  }
0x23: {  	_ =	task [dreg:s7], $0x5FFFF  }
0x24: {  	[dreg:$0x1] =	wrdreg $0xFFFFFFFF  }
0x25: {  	[dreg:$0x0] =	wrdreg $0x60  }
0x26: {  	[dreg:$0x2] =	wrdreg s25  }
0x27: {  	[dreg:$0x3] =	wrdreg s2  }
0x28: {  	[dreg:$0x4] =	wrdreg $0x9  }
0x29: {  	_ =	task.clear_ibuf [dreg:s7], $0x5FFFF;
	_ =	strace $0x90000049  }
0x2a: {  	s29 =	simm.s32 $0x9;
	_ =	strace $0x8000004B  }
0x2b: {  	_ =	swait.ge [sflag:s29], $0x1  }
0x2c: {  	[sflag:s29] =	ssyncadd.s32 $0xFFFFFFFF  }
0x2d: {  	_ =	strace $0x9000004B  }
0x2e: {  	_ =	sfence  }
0x2f: {  	s30 =	sld [smem:$0x0];
	_ =	sdelay $0x2  }
0x30: {  	s31 =	sshll.u32 s1, $0xD;
	s1 =	sshrl.u32 s1, $0x2  }
0x31: {  	s3 =	sand.u32 $0x4000, s31;
	s1 =	sadd.s32 s1, s30  }
0x32: {  	s0 =	sor.u32 s3, s0;
	s1 =	sshll.u32 s1, $0x11  }
0x33: {  	s0 =	sor.u32 s1, s0  }
0x34: {  	s0 =	sadd.s32 $0x8F2B, s0  }
0x35: {  	[sflag:s0] =	ssyncadd.remote.s32 $0x1  }
0x36: {  	_ =	sfence.sel $0xFFFF  }
0x37: {  	[dreg:$0x0] =	wrdreg $0xFFFFFFFF;
	(pc) =	sbr.abs _section_cstart, $3  }
0x38: {  	[dreg:$0x1] =	wrdreg $0xFFFFFFFF  }
0x39: {  	_ =	task.clear_ibuf [dreg:s7], $0x2FFFF;
	_ =	strace $0x9FFFFFFF  }
0x3a: {  	(tm) =	ssettm $0x7FFFFFFF  }
0x3b: {  	_ =	shalt  }
tec
execute0_lowered:
.L_overlay_start_1:
0x0: {  	(tag) =	ssettag $0x1  }
0x1: {  	s4 =	rddreg [dreg:$0x0]  }
0x2: {  	s0 =	srdreg.scid;
	s2 =	rddreg [dreg:$0x1]  }
0x3: {  	s1 =	stileid.u32;
	s5 =	simm.s32 $0x1;
	s0 =	sshll.u32 s0, $0x4  }
0x4: {  	s7 =	simm.s32 $0x2;
	s11 =	simm.s32 $0x0;
	s3 =	sand.u32 $0x10, s0  }
.Ltmp0:
0x5: {  	p0 =	por $0x0, $0x0;
	s3 =	sor.u32 s1, s3;
	(pc) =	sbr.rel .LBB1_1-.Ltmp0, $4  }
0x6: {  	s8 =	simm.s32 $0x7A1400;
	s10 =	simm.s32 $0x0;
	s3 =	sshll.u32 s3, $0x7  }
0x7: {  	s0 =	rddreg [dreg:$0x2];
	_ =	strace $0x8000004A;
	s6 =	ssub.s32 $0xF4200, s3  }
0x8: {  	s4 =	sadd.s32 $0xF42C00, s4;
	[sflag:s5] =	ssyncpa.u1 $0x0;
	s6 =	sshrl.u32 s6, $0xC  }
0x9: {  	[sflag:s7] =	ssyncpa.u1 $0x0;
	s9 =	smov.u32 s3;
	s7 =	sadd.s32 $0x2, s6  }
.LBB1_5:
0xa: {  	s13 =	sadd.s32 $0x1000, s9  }
0xb: {  	p2 =	sgt.s32 s13, $0xF423F  }
0xc: {  	s13 =	smov.u32 @p2 s3;
	p2 =	sne.s32 s10, s7  }
.Ltmp1:
0xd: {  	p1 =	slt.u32 s10, $0x2;
	(pc) =	sbr.rel @!p2 .LBB1_6-.Ltmp1, $4  }
0xe: {  	s12 =	simm.s32 @!p1 $0x2  }
0xf: {  	s14 =	sadd.s32 $0x1, s10;
	_ =	swait.ge @!p1 [sflag:s12], $0x1000  }
0x10: {  	s11 =	smov.u32 s9;
	p0 =	por !p0, !p0;
	[sflag:s12] =	ssyncset.done @!p1 $0x0  }
0x11: {  	s10 =	smov.u32 s14;
	s9 =	smov.u32 s13;
	[sflag:s12] =	ssyncadd.s32 @!p1 $0xFFFFF000  }
.LBB1_1:
0x12: {  	p1 =	sgt.u32 s10, s6  }
0x13: {  	s13 =	smov.u32 s9;
	p2 =	sgt.s32 @!p1 s9, $0xF41C0  }
0x14: {  	s12 =	sand.u32 @!p1 $0x1FFFFFF, s9;
	s14 =	sshra.s32 @!p1 s9, $0x1F;
	p2 =	por !p2, p1  }
0x15: {  	s15 =	smulhi.u32 @!p1 $0x218DEF5, s12;
	s14 =	sand.u32 @!p1 s14, s9;
	s13 =	simm.s32 @p2 $0xF41C0  }
0x16: {  	s13 =	ssub.s32 @!p1 s13, s14  }
0x17: {  	s14 =	sshrl.u32 @!p1 s15, $0xD;
	s13 =	sadd.s32 @!p1 $0xFFF0BE40, s13  }
0x18: {  	s15 =	sxor.u32 @!p1 $0xFFFFFFFF, s10;
	s14 =	smul.u32 @!p1 $0xF4240, s14;
	s16 =	sshll.u32 @!p1 s13, $0x7  }
0x19: {  	s15 =	sshll.u32 @!p1 s15, $0xC;
	p2 =	sgt.s32 @!p1 s13, $0x7F;
	s13 =	ssub.s32 @!p1 $0x4000, s16  }
0x1a: {  	s12 =	ssub.s32 @!p1 s12, s14;
	p2 =	por !p2, p1;
	s14 =	sand.u32 @!p1 $0x1000, s15  }
0x1b: {  	s15 =	simm.s32 @!p1 $0x20;
	s13 =	sshrl.u32 @!p1 s13, $0x2;
	s12 =	sshll.u32 @!p1 s12, $0x4  }
0x1c: {  	s16 =	simm.s32 @!p1 $0x80;
	s13 =	simm.s32 @!p2 $0x0;
	s12 =	sadd.s32 @!p1 s4, s12  }
0x1d: {  	[tilespmem:s14], [sflag:$0x1] =	stream.strided.gather @!p1 [hbm4b:s12+s15], s13, s16, s15, $0x38;
	[tilespmem:$0x4040] =	vst v63  }
0x1e: {  	p1 =	seq.s32 s10, $0x0  }
0x1f: {  	p2 =	sge.u32 @!p1 s10, s7  }
0x20: {  	p1 =	por p1, p2  }
.Ltmp2:
0x21: {  	_ = 	snop;
	(pc) =	sbr.rel @p1 .LBB1_5-.Ltmp2, $1  }
0x22: {  	_ =	sdelay $0x3  }
0x23: {  	p1 =	sgt.s32 s11, $0xF41C0;
	s12 =	smov.u32 s11;
	s13 =	sshra.s32 s11, $0x1F  }
0x24: {  	s12 =	simm.s32 @!p1 $0xF41C0;
	s13 =	sand.u32 s13, s11  }
0x25: {  	s12 =	ssub.s32 s12, s13  }
0x26: {  	s12 =	sadd.s32 $0xFFF0BE40, s12  }
0x27: {  	s28 =	sshll.u32 s12, $0x7  }
0x28: {  	s13 =	ssub.s32 $0x4000, s28  }
0x29: {  	p1 =	sgt.s32 s12, $0x7F;
	s12 =	sshrl.u32 s13, $0x2  }
0x2a: {  	s13 =	simm.s32 $0x1;
	s12 =	simm.s32 @p1 $0x0  }
0x2b: {  	s13 =	simm.s32 @!p0 $0x0;
	_ =	swait.ge [sflag:s5], s12  }
0x2c: {  	s14 =	sshll.u32 s13, $0xC;
	s12 =	ssub.s32 $0x0, s12;
	[sflag:s5] =	ssyncset.done $0x0  }
0x2d: {  	s16 =	sor.u32 $0x10, s14;
	[sflag:s5] =	ssyncadd.s32 s12  }
0x2e: {  	s29 =	smul.u32 $0x4080, s13;
	v1 =	vld [tilespmem:s16+$0x0]  }
0x2f: {  	s30 =	sand.u32 $0x1, s10;
	v0 =	vld [tilespmem:s16+$0xFFFFFFF0]  }
0x30: {  	s13 =	smul.u32 $0x4080, s30;
	s12 =	sshrl.u32 s29, $0x2  }
0x31: {  	s14 =	sor.u32 $0x2000, s12  }
0x32: {  	s31 =	sshrl.u32 s13, $0x2;
	s13 =	sadd.s32 $0x0, s14  }
0x33: {  	s15 =	simm.s32 $0x4;
	s12 =	sor.u32 $0x2000, s31;
	s16 =	sadd.s32 $0x20, s16;
	[tilespmem:s13+$0x810 ss:$0x81] =	vst.msk $0xffff, v1  }
.LBB1_3:
0x34: {  	v1 =	vld [tilespmem:s16+$0x0];
	p1 =	sne.s32 s15, $0x1FC;
	[tilespmem:s13+$0x0 ss:$0x81] =	vst.msk $0xffff, v0;
	s13 =	smov.u32 s15;
	s15 =	sadd.s32 $0x4, s15  }
.Ltmp3:
0x35: {  	v0 =	vld [tilespmem:s16+$0xFFFFFFF0];
	(pc) =	sbr.rel @p1 .LBB1_3-.Ltmp3, $4  }
0x36: {  	_ = 	snop  }
0x37: {  	s13 =	sshra.s32 s13, $0x2  }
0x38: {  	s13 =	sadd.s32 s13, s14  }
0x39: {  	s16 =	sadd.s32 $0x20, s16;
	[tilespmem:s13+$0x810 ss:$0x81] =	vst.msk $0xffff, v1  }
0x3a: {  	s14 =	sshll.u32 s11, $0x3  }
0x3b: {  	s30 =	sand.u32 $0x7F, s11;
	s14 =	sand.u32 $0xFFFFFC00, s14  }
0x3c: {  	s11 =	sor.u32 s30, s14  }
0x3d: {  	s15 =	smulhi.u32 $0x218D6287, s11;
	_ =	sdelay $0x1  }
0x3e: {  	s14 =	smulhi.u32 $0x218D6287, s14;
	s15 =	sshrl.u32 s15, $0x11  }
0x3f: {  	s15 =	smul.u32 $0xF4280, s15  }
0x40: {  	s14 =	sshrl.u32 s14, $0x11  }
.Ltmp4:
0x41: {  	s14 =	sand.u32 $0x1F, s14;
	s11 =	ssub.s32 s11, s15;
	(pc) =	sbr.rel .LBB1_5-.Ltmp4, $4  }
0x42: {  	s14 =	smul.u32 $0x1E850, s14;
	s15 =	sshrl.u32 s11, $0x3;
	s11 =	sand.u32 $0x7, s11  }
0x43: {  	s15 =	sadd.s32 s2, s15;
	s11 =	sshll.u32 s11, $0x12  }
0x44: {  	[tilespmem:s13+$0x0 ss:$0x81] =	vst.msk $0xffff, v0;
	s31 =	sadd.s32 s14, s15;
	s11 =	sor.u32 $0x400, s11  }
0x45: {  	[hbm4b:s31+s11] =	stream.strided.scatter [tilespmem:s12], [sflag:$0x2], $0x1000, s8, s11, $0x20;
	[tilespmem:$0x4040] =	vst v63  }
.LBB1_6:
0x46: {  	_ =	sfence.sel $0x180000  }
0x47: {  	s2 =	simm.s32 $0x1;
	[bflag:$0x0] =	sbarrier.arrive $0xFFFF  }
0x48: {  	s31 =	simm.s32 $0x2;
	[sflag:s2] =	ssyncpa.u1 $0x1  }
0x49: {  	[sflag:s31] =	ssyncpa.u1 $0x1  }
0x4a: {  	p0 =	sne.s32 s1, $0x0;
	_ =	strace $0x9000004A  }
0x4b: {  	s0 =	sadd.s32 @!p0 $0x100000, s0;
	[bflag:$0x2] =	sbarrier.arrive $0xFFFF  }
0x4c: {  	[sflag:s0] =	ssyncadd.tile.s32 @!p0 $0x1;
	_ =	shalt  }
.Lfunc_end1:
_tile_overlayer_lowered:
.L_overlay_start_2:
0x4d: {  	(tag) =	ssettag $0x2  }
0x4e: {  	s0 =	rddreg [dreg:$0x0];
	s2 =	stileid.u32  }
0x4f: {  	s1 =	rddreg [dreg:$0x1];
	p0 =	sne.s32 s2, $0x0  }
0x50: {  	s3 =	rddreg [dreg:$0x2];
	[bflag:$0x3] =	sbarrier.arrive $0xFFFF;
	s2 =	simm.s32 @!p0 $0x1C01  }
0x51: {  	[timem:s3], [sflag:s2] =	dma.local @!p0 [hbm:s0], s1  }
0x52: {  	s0 =	simm.s32 @!p0 $0x1  }
0x53: {  	_ =	swait.ge @!p0 [sflag:s0], s1  }
0x54: {  	s1 =	ssub.s32 @!p0 $0x0, s1;
	[sflag:s0] =	ssyncset.done @!p0 $0x0  }
0x55: {  	[sflag:s0] =	ssyncadd.s32 @!p0 s1  }
0x56: {  	[bflag:$0x3] =	sbarrier.arrive $0xFFFF  }
0x57: {  	_ =	shalt  }

</sc_bundles>
